<compile_context>
chip_gen: v7x
topology: tpu7x:2x2x1
jax: 0.10.2.dev20260603
libtpu: 0.0.44.dev20260713+nightly
codegen_flags: <defaults>
</compile_context>

<pallas_src>
import functools

import jax
import jax.numpy as jnp
from jax import lax
from jax.experimental import pallas as pl
from jax.experimental.pallas import tpu as pltpu
from jax.experimental.pallas import tpu_sc as plsc

B = 16384
D_IN = 64
D_HID = 128
D_OUT = 64
BLKC = 8192
CHUNK = 4096
L = 16
UNROLL = 8


@functools.lru_cache(maxsize=None)
def _make_gather(vocab):
    info = plsc.get_sparse_core_info()
    nc, ns = info.num_cores, info.num_subcores
    nw = nc * ns
    dims_per_w = D_IN // nw
    n_chunks = B // CHUNK

    mesh = plsc.VectorSubcoreMesh(core_axis_name="c", subcore_axis_name="s")

    @functools.partial(
        pl.kernel,
        mesh=mesh,
        out_type=jax.ShapeDtypeStruct((D_IN, B), jnp.float32),
        scratch_types=[
            pltpu.VMEM((B,), jnp.int32),
            pltpu.VMEM((vocab,), jnp.float32),
            pltpu.VMEM((CHUNK,), jnp.float32),
            pltpu.VMEM((CHUNK,), jnp.float32),
            pltpu.SemaphoreType.DMA,
            pltpu.SemaphoreType.DMA,
            pltpu.SemaphoreType.DMA,
            pltpu.SemaphoreType.DMA,
        ],
        compiler_params=pltpu.CompilerParams(needs_layout_passes=False),
    )
    def gather(table_t_hbm, idx_hbm, out_hbm, idx_v, col_v, out_a, out_b,
               sem_i, sem_c, sem_a, sem_b):
        wid = lax.axis_index("s") * nc + lax.axis_index("c")
        d0 = wid * dims_per_w
        idx_cp = pltpu.make_async_copy(idx_hbm, idx_v, sem_i)
        idx_cp.start()
        col_cp = pltpu.make_async_copy(table_t_hbm.at[d0], col_v, sem_c)
        col_cp.start()
        idx_cp.wait()
        col_cp.wait()
        outs = (out_a, out_b)
        sems = (sem_a, sem_b)
        for r in range(dims_per_w):
            d = d0 + r
            for chunk in range(n_chunks):
                out_v = outs[chunk % 2]
                sem_o = sems[chunk % 2]
                if r * n_chunks + chunk >= 2:
                    pltpu.make_async_copy(
                        out_v,
                        out_hbm.at[d0 + (r * n_chunks + chunk - 2) // n_chunks,
                                   pl.ds(((r * n_chunks + chunk - 2) % n_chunks)
                                         * CHUNK, CHUNK)],
                        sem_o).wait()

                @plsc.parallel_loop(0, CHUNK, step=L, unroll=UNROLL)
                def _(i, chunk=chunk, out_v=out_v):
                    iv = idx_v[pl.ds(chunk * CHUNK + i, L)]
                    out_v[pl.ds(i, L)] = plsc.load_gather(col_v, [iv])

                if r == 0 and chunk == n_chunks - 1 and dims_per_w > 1:
                    col_cp2 = pltpu.make_async_copy(
                        table_t_hbm.at[d0 + 1], col_v, sem_c)
                    col_cp2.start()
                pltpu.make_async_copy(
                    out_v, out_hbm.at[d, pl.ds(chunk * CHUNK, CHUNK)],
                    sem_o).start()
            if r == 0 and dims_per_w > 1:
                pltpu.make_async_copy(
                    table_t_hbm.at[d0 + 1], col_v, sem_c).wait()
        for chunk in (n_chunks - 2, n_chunks - 1):
            pltpu.make_async_copy(
                outs[chunk % 2],
                out_hbm.at[d0 + dims_per_w - 1, pl.ds(chunk * CHUNK, CHUNK)],
                sems[chunk % 2]).wait()

    return gather


def _mlp_body(x_ref, wc_ref, bc_ref, w1_ref, b1_ref, w2_ref, b2_ref, o_ref):
    dn = (((1,), (0,)), ((), ()))
    x = x_ref[...]
    c = lax.dot_general(wc_ref[...], x, dn,
                        preferred_element_type=jnp.float32) + bc_ref[...]
    h = jnp.maximum(
        lax.dot_general(w1_ref[...], c, dn,
                        preferred_element_type=jnp.float32) + b1_ref[...], 0.0)
    o_ref[...] = lax.dot_general(w2_ref[...], h, dn,
                                 preferred_element_type=jnp.float32) + b2_ref[...]


def _mlp_t(x_t, W_comb, b_comb, W1, b1, W2, b2):
    return pl.pallas_call(
        _mlp_body,
        grid=(B // BLKC,),
        in_specs=[
            pl.BlockSpec((D_IN, BLKC), lambda i: (0, i)),
            pl.BlockSpec((D_OUT, D_IN), lambda i: (0, 0)),
            pl.BlockSpec((D_OUT, 1), lambda i: (0, 0)),
            pl.BlockSpec((D_HID, D_OUT), lambda i: (0, 0)),
            pl.BlockSpec((D_HID, 1), lambda i: (0, 0)),
            pl.BlockSpec((D_OUT, D_HID), lambda i: (0, 0)),
            pl.BlockSpec((D_OUT, 1), lambda i: (0, 0)),
        ],
        out_specs=pl.BlockSpec((D_OUT, BLKC), lambda i: (0, i)),
        out_shape=jax.ShapeDtypeStruct((D_OUT, B), jnp.float32),
    )(x_t, W_comb, b_comb.reshape(D_OUT, 1), W1, b1.reshape(D_HID, 1),
      W2, b2.reshape(D_OUT, 1))


def kernel(pert_indices, emb_table, W_comb, b_comb, W1, b1, W2, b2):
    idx = pert_indices.astype(jnp.int32)
    table_t = jnp.transpose(emb_table)
    x_t = _make_gather(emb_table.shape[0])(table_t, idx)
    out_t = _mlp_t(x_t, W_comb, b_comb, W1, b1, W2, b2)
    return jnp.transpose(out_t)

# --- scband reference (transcript-rebuilt; emitter-appended) ---
"""Pipeline reference for scband-graph-encoder-19765439496837 (READ-ONLY COPY).

The authoritative reference and input builder live on the scoring server;
editing this copy changes nothing except your own understanding.
"""

import jax, jax.numpy as jnp
import numpy as np

VOCAB = 100000
BATCH = 16384
INPUT_DIM = 64
HIDDEN_DIM = 128
OUTPUT_DIM = 64


def setup_inputs(seed: int = 0) -> dict:
    key = jax.random.key(seed)
    ks = jax.random.split(key, 8)
    pert_indices = jax.random.randint(ks[0], (BATCH,), 0, VOCAB, dtype=jnp.int64 if jax.config.jax_enable_x64 else jnp.int32)
    # learned parameters
    emb_table = jax.random.normal(ks[1], (VOCAB, INPUT_DIM), dtype=jnp.float32) * 0.02
    # graph_combiner: Linear(input_dim, output_dim)  (no graphs -> fallback branch)
    W_comb = jax.random.normal(ks[2], (OUTPUT_DIM, INPUT_DIM), dtype=jnp.float32) * 0.02
    b_comb = jnp.zeros((OUTPUT_DIM,), dtype=jnp.float32)
    # pert_encoder: Linear(output_dim, hidden_dim) -> ReLU -> Dropout(eval: identity) -> Linear(hidden_dim, output_dim)
    W1 = jax.random.normal(ks[3], (HIDDEN_DIM, OUTPUT_DIM), dtype=jnp.float32) * 0.02
    b1 = jnp.zeros((HIDDEN_DIM,), dtype=jnp.float32)
    W2 = jax.random.normal(ks[4], (OUTPUT_DIM, HIDDEN_DIM), dtype=jnp.float32) * 0.02
    b2 = jnp.zeros((OUTPUT_DIM,), dtype=jnp.float32)
    return {
        "pert_indices": pert_indices,
        "emb_table": emb_table,
        "W_comb": W_comb,
        "b_comb": b_comb,
        "W1": W1,
        "b1": b1,
        "W2": W2,
        "b2": b2,
    }


def reference(pert_indices, emb_table, W_comb, b_comb, W1, b1, W2, b2):
    # Embedding lookup of perturbation indices
    x = jnp.take(emb_table, pert_indices, axis=0)  # [B, input_dim]
    # Fallback branch (no gnn_backend, no graphs): graph_combiner is Linear(input_dim, output_dim)
    combined = x @ W_comb.T + b_comb  # [B, output_dim]
    # pert_encoder MLP (dropout is identity in eval mode)
    h = jax.nn.relu(combined @ W1.T + b1)  # [B, hidden_dim]
    out = h @ W2.T + b2  # [B, output_dim]
    return out

if __name__ == "__main__":
    import jax
    _d = setup_inputs()
    print(jax.jit(kernel)(*tuple(_d.values())))

</pallas_src>

<mosaic_0001>
#map = affine_map<(d0, d1) -> (0, 0)>
#map1 = affine_map<(d0, d1) -> (0)>
module attributes {stable_mosaic.version = 14 : i64} {
  func.func @gather(%arg0: i32, %arg1: i32, %arg2: memref<64x100000xf32, #tpu.memory_space<hbm>>, %arg3: memref<16384xi32, #tpu.memory_space<hbm>>, %arg4: memref<64x16384xf32, #tpu.memory_space<hbm>>, %arg5: memref<16384xi32, #tpu.memory_space<vmem>>, %arg6: memref<100000xf32, #tpu.memory_space<vmem>>, %arg7: memref<4096xf32, #tpu.memory_space<vmem>>, %arg8: memref<4096xf32, #tpu.memory_space<vmem>>, %arg9: memref<!tpu.dma_semaphore, #tpu.memory_space<semaphore_mem>>, %arg10: memref<!tpu.dma_semaphore, #tpu.memory_space<semaphore_mem>>, %arg11: memref<!tpu.dma_semaphore, #tpu.memory_space<semaphore_mem>>, %arg12: memref<!tpu.dma_semaphore, #tpu.memory_space<semaphore_mem>>) attributes {dimension_semantics = [#tpu.dimension_semantics<core_parallel>, #tpu.dimension_semantics<subcore_parallel>], iteration_bounds = array<i64: 2, 16>, scalar_prefetch = 0 : i64, scratch_operands = 8 : i64, tpu.core_type = #tpu.core_type<sc_vector_subcore>, window_params = [{transform_indices = #map}, {transform_indices = #map1}, {transform_indices = #map}]} {
    %mul3A = arith.constant 2 : i32
    %mul3A_0 = arith.muli %arg1, %mul3A : i32
    %add3A = arith.addi %mul3A_0, %arg0 : i32
    %mul3A_1 = arith.constant 2 : i32
    %mul3A_2 = arith.muli %add3A, %mul3A_1 : i32
    tpu.enqueue_dma source(%arg3 : memref<16384xi32, #tpu.memory_space<hbm>>) target(%arg5 : memref<16384xi32, #tpu.memory_space<vmem>>) target_semaphore(%arg9 : memref<!tpu.dma_semaphore, #tpu.memory_space<semaphore_mem>>)
    %dma_start3A = arith.constant 0 : i32
    %dma_start3A_3 = tpu.memref_slice %arg2[%mul3A_2, %dma_start3A] : memref<64x100000xf32, #tpu.memory_space<hbm>> -> memref<1x100000xf32, #tpu.memory_space<hbm>>
    %dma_start3A_4 = tpu.memref_squeeze %dma_start3A_3 : memref<1x100000xf32, #tpu.memory_space<hbm>> -> memref<100000xf32, #tpu.memory_space<hbm>>
    %dma_start3A_5 = arith.constant 0 : i32
    %dma_start3A_6 = tpu.memref_slice %arg2[%mul3A_2, %dma_start3A_5] : memref<64x100000xf32, #tpu.memory_space<hbm>> -> memref<1x100000xf32, #tpu.memory_space<hbm>>
    %dma_start3A_7 = tpu.memref_squeeze %dma_start3A_6 : memref<1x100000xf32, #tpu.memory_space<hbm>> -> memref<100000xf32, #tpu.memory_space<hbm>>
    tpu.enqueue_dma source(%dma_start3A_7 : memref<100000xf32, #tpu.memory_space<hbm>>) target(%arg6 : memref<100000xf32, #tpu.memory_space<vmem>>) target_semaphore(%arg10 : memref<!tpu.dma_semaphore, #tpu.memory_space<semaphore_mem>>)
    tpu.wait_dma2 semaphore(%arg9 : memref<!tpu.dma_semaphore, #tpu.memory_space<semaphore_mem>>) src(%arg3 : memref<16384xi32, #tpu.memory_space<hbm>>) dst(%arg5 : memref<16384xi32, #tpu.memory_space<vmem>>)
    %dma_wait3A = arith.constant 0 : i32
    %dma_wait3A_8 = tpu.memref_slice %arg2[%mul3A_2, %dma_wait3A] : memref<64x100000xf32, #tpu.memory_space<hbm>> -> memref<1x100000xf32, #tpu.memory_space<hbm>>
    %dma_wait3A_9 = tpu.memref_squeeze %dma_wait3A_8 : memref<1x100000xf32, #tpu.memory_space<hbm>> -> memref<100000xf32, #tpu.memory_space<hbm>>
    %dma_wait3A_10 = arith.constant 0 : i32
    %dma_wait3A_11 = tpu.memref_slice %arg2[%mul3A_2, %dma_wait3A_10] : memref<64x100000xf32, #tpu.memory_space<hbm>> -> memref<1x100000xf32, #tpu.memory_space<hbm>>
    %dma_wait3A_12 = tpu.memref_squeeze %dma_wait3A_11 : memref<1x100000xf32, #tpu.memory_space<hbm>> -> memref<100000xf32, #tpu.memory_space<hbm>>
    tpu.wait_dma2 semaphore(%arg10 : memref<!tpu.dma_semaphore, #tpu.memory_space<semaphore_mem>>) src(%dma_wait3A_12 : memref<100000xf32, #tpu.memory_space<hbm>>) dst(%arg6 : memref<100000xf32, #tpu.memory_space<vmem>>)
    %add3A_13 = arith.constant 0 : i32
    %add3A_14 = arith.addi %mul3A_2, %add3A_13 : i32
    %parallel_loop3A = arith.constant 0 : i32
    %parallel_loop3A_15 = arith.constant 4096 : i32
    %parallel_loop3A_16 = arith.constant 16 : i32
    scf.for %parallel_loop3A_171 = %parallel_loop3A to %parallel_loop3A_15 step %parallel_loop3A_16  : i32 {
      %parallel_loop3A_172 = arith.constant 0 : i32
      %parallel_loop3A_173 = arith.addi %parallel_loop3A_172, %parallel_loop3A_171 : i32
      %parallel_loop3A_174 = arith.index_cast %parallel_loop3A_173 : i32 to index
      %parallel_loop3A_175 = tpu.vector_load %arg5[%parallel_loop3A_174] {strides = array<i32>} : memref<16384xi32, #tpu.memory_space<vmem>>, vector<16xi32>,
      %parallel_loop3A_176 = tpu.vector_load_idx %arg6[%parallel_loop3A_175] : memref<100000xf32, #tpu.memory_space<vmem>>[vector<16xi32>], vector<16xf32>,
      %parallel_loop3A_177 = arith.index_cast %parallel_loop3A_171 : i32 to index
      %parallel_loop3A_178 = tpu.vector_load %arg7[%parallel_loop3A_177] {strides = array<i32>} : memref<4096xf32, #tpu.memory_space<vmem>>, vector<16xf32>,
      tpu.vector_store %arg7[%parallel_loop3A_177], %parallel_loop3A_176 {strides = array<i32>} : memref<4096xf32, #tpu.memory_space<vmem>>, vector<16xf32>,
    } {sc.loop_unroll_factor = 8 : i64, sc.parallel_access}
    %dma_start3A_17 = arith.constant 0 : i32
    %dma_start3A_18 = tpu.memref_slice %arg4[%add3A_14, %dma_start3A_17] : memref<64x16384xf32, #tpu.memory_space<hbm>> -> memref<1x4096xf32, #tpu.memory_space<hbm>>
    %dma_start3A_19 = tpu.memref_squeeze %dma_start3A_18 : memref<1x4096xf32, #tpu.memory_space<hbm>> -> memref<4096xf32, #tpu.memory_space<hbm>>
    %dma_start3A_20 = arith.constant 0 : i32
    %dma_start3A_21 = tpu.memref_slice %arg4[%add3A_14, %dma_start3A_20] : memref<64x16384xf32, #tpu.memory_space<hbm>> -> memref<1x4096xf32, #tpu.memory_space<hbm>>
    %dma_start3A_22 = tpu.memref_squeeze %dma_start3A_21 : memref<1x4096xf32, #tpu.memory_space<hbm>> -> memref<4096xf32, #tpu.memory_space<hbm>>
    tpu.enqueue_dma source(%arg7 : memref<4096xf32, #tpu.memory_space<vmem>>) target(%dma_start3A_22 : memref<4096xf32, #tpu.memory_space<hbm>>) target_semaphore(%arg11 : memref<!tpu.dma_semaphore, #tpu.memory_space<semaphore_mem>>)
    %parallel_loop3A_23 = arith.constant 0 : i32
    %parallel_loop3A_24 = arith.constant 4096 : i32
    %parallel_loop3A_25 = arith.constant 16 : i32
    scf.for %parallel_loop3A_171 = %parallel_loop3A_23 to %parallel_loop3A_24 step %parallel_loop3A_25  : i32 {
      %parallel_loop3A_172 = arith.constant 4096 : i32
      %parallel_loop3A_173 = arith.addi %parallel_loop3A_172, %parallel_loop3A_171 : i32
      %parallel_loop3A_174 = arith.index_cast %parallel_loop3A_173 : i32 to index
      %parallel_loop3A_175 = tpu.vector_load %arg5[%parallel_loop3A_174] {strides = array<i32>} : memref<16384xi32, #tpu.memory_space<vmem>>, vector<16xi32>,
      %parallel_loop3A_176 = tpu.vector_load_idx %arg6[%parallel_loop3A_175] : memref<100000xf32, #tpu.memory_space<vmem>>[vector<16xi32>], vector<16xf32>,
      %parallel_loop3A_177 = arith.index_cast %parallel_loop3A_171 : i32 to index
      %parallel_loop3A_178 = tpu.vector_load %arg8[%parallel_loop3A_177] {strides = array<i32>} : memref<4096xf32, #tpu.memory_space<vmem>>, vector<16xf32>,
      tpu.vector_store %arg8[%parallel_loop3A_177], %parallel_loop3A_176 {strides = array<i32>} : memref<4096xf32, #tpu.memory_space<vmem>>, vector<16xf32>,
    } {sc.loop_unroll_factor = 8 : i64, sc.parallel_access}
    %dma_start3A_26 = arith.constant 4096 : i32
    %dma_start3A_27 = tpu.memref_slice %arg4[%add3A_14, %dma_start3A_26] : memref<64x16384xf32, #tpu.memory_space<hbm>> -> memref<1x4096xf32, #tpu.memory_space<hbm>>
    %dma_start3A_28 = tpu.memref_squeeze %dma_start3A_27 : memref<1x4096xf32, #tpu.memory_space<hbm>> -> memref<4096xf32, #tpu.memory_space<hbm>>
    %dma_start3A_29 = arith.constant 4096 : i32
    %dma_start3A_30 = tpu.memref_slice %arg4[%add3A_14, %dma_start3A_29] : memref<64x16384xf32, #tpu.memory_space<hbm>> -> memref<1x4096xf32, #tpu.memory_space<hbm>>
    %dma_start3A_31 = tpu.memref_squeeze %dma_start3A_30 : memref<1x4096xf32, #tpu.memory_space<hbm>> -> memref<4096xf32, #tpu.memory_space<hbm>>
    tpu.enqueue_dma source(%arg8 : memref<4096xf32, #tpu.memory_space<vmem>>) target(%dma_start3A_31 : memref<4096xf32, #tpu.memory_space<hbm>>) target_semaphore(%arg12 : memref<!tpu.dma_semaphore, #tpu.memory_space<semaphore_mem>>)
    %add3A_32 = arith.constant 0 : i32
    %add3A_33 = arith.addi %mul3A_2, %add3A_32 : i32
    %dma_wait3A_34 = arith.constant 0 : i32
    %dma_wait3A_35 = tpu.memref_slice %arg4[%add3A_33, %dma_wait3A_34] : memref<64x16384xf32, #tpu.memory_space<hbm>> -> memref<1x4096xf32, #tpu.memory_space<hbm>>
    %dma_wait3A_36 = tpu.memref_squeeze %dma_wait3A_35 : memref<1x4096xf32, #tpu.memory_space<hbm>> -> memref<4096xf32, #tpu.memory_space<hbm>>
    %dma_wait3A_37 = arith.constant 0 : i32
    %dma_wait3A_38 = tpu.memref_slice %arg4[%add3A_33, %dma_wait3A_37] : memref<64x16384xf32, #tpu.memory_space<hbm>> -> memref<1x4096xf32, #tpu.memory_space<hbm>>
    %dma_wait3A_39 = tpu.memref_squeeze %dma_wait3A_38 : memref<1x4096xf32, #tpu.memory_space<hbm>> -> memref<4096xf32, #tpu.memory_space<hbm>>
    tpu.wait_dma2 semaphore(%arg11 : memref<!tpu.dma_semaphore, #tpu.memory_space<semaphore_mem>>) src(%arg7 : memref<4096xf32, #tpu.memory_space<vmem>>) dst(%dma_wait3A_39 : memref<4096xf32, #tpu.memory_space<hbm>>)
    %parallel_loop3A_40 = arith.constant 0 : i32
    %parallel_loop3A_41 = arith.constant 4096 : i32
    %parallel_loop3A_42 = arith.constant 16 : i32
    scf.for %parallel_loop3A_171 = %parallel_loop3A_40 to %parallel_loop3A_41 step %parallel_loop3A_42  : i32 {
      %parallel_loop3A_172 = arith.constant 8192 : i32
      %parallel_loop3A_173 = arith.addi %parallel_loop3A_172, %parallel_loop3A_171 : i32
      %parallel_loop3A_174 = arith.index_cast %parallel_loop3A_173 : i32 to index
      %parallel_loop3A_175 = tpu.vector_load %arg5[%parallel_loop3A_174] {strides = array<i32>} : memref<16384xi32, #tpu.memory_space<vmem>>, vector<16xi32>,
      %parallel_loop3A_176 = tpu.vector_load_idx %arg6[%parallel_loop3A_175] : memref<100000xf32, #tpu.memory_space<vmem>>[vector<16xi32>], vector<16xf32>,
      %parallel_loop3A_177 = arith.index_cast %parallel_loop3A_171 : i32 to index
      %parallel_loop3A_178 = tpu.vector_load %arg7[%parallel_loop3A_177] {strides = array<i32>} : memref<4096xf32, #tpu.memory_space<vmem>>, vector<16xf32>,
      tpu.vector_store %arg7[%parallel_loop3A_177], %parallel_loop3A_176 {strides = array<i32>} : memref<4096xf32, #tpu.memory_space<vmem>>, vector<16xf32>,
    } {sc.loop_unroll_factor = 8 : i64, sc.parallel_access}
    %dma_start3A_43 = arith.constant 8192 : i32
    %dma_start3A_44 = tpu.memref_slice %arg4[%add3A_14, %dma_start3A_43] : memref<64x16384xf32, #tpu.memory_space<hbm>> -> memref<1x4096xf32, #tpu.memory_space<hbm>>
    %dma_start3A_45 = tpu.memref_squeeze %dma_start3A_44 : memref<1x4096xf32, #tpu.memory_space<hbm>> -> memref<4096xf32, #tpu.memory_space<hbm>>
    %dma_start3A_46 = arith.constant 8192 : i32
    %dma_start3A_47 = tpu.memref_slice %arg4[%add3A_14, %dma_start3A_46] : memref<64x16384xf32, #tpu.memory_space<hbm>> -> memref<1x4096xf32, #tpu.memory_space<hbm>>
    %dma_start3A_48 = tpu.memref_squeeze %dma_start3A_47 : memref<1x4096xf32, #tpu.memory_space<hbm>> -> memref<4096xf32, #tpu.memory_space<hbm>>
    tpu.enqueue_dma source(%arg7 : memref<4096xf32, #tpu.memory_space<vmem>>) target(%dma_start3A_48 : memref<4096xf32, #tpu.memory_space<hbm>>) target_semaphore(%arg11 : memref<!tpu.dma_semaphore, #tpu.memory_space<semaphore_mem>>)
    %add3A_49 = arith.constant 0 : i32
    %add3A_50 = arith.addi %mul3A_2, %add3A_49 : i32
    %dma_wait3A_51 = arith.constant 4096 : i32
    %dma_wait3A_52 = tpu.memref_slice %arg4[%add3A_50, %dma_wait3A_51] : memref<64x16384xf32, #tpu.memory_space<hbm>> -> memref<1x4096xf32, #tpu.memory_space<hbm>>
    %dma_wait3A_53 = tpu.memref_squeeze %dma_wait3A_52 : memref<1x4096xf32, #tpu.memory_space<hbm>> -> memref<4096xf32, #tpu.memory_space<hbm>>
    %dma_wait3A_54 = arith.constant 4096 : i32
    %dma_wait3A_55 = tpu.memref_slice %arg4[%add3A_50, %dma_wait3A_54] : memref<64x16384xf32, #tpu.memory_space<hbm>> -> memref<1x4096xf32, #tpu.memory_space<hbm>>
    %dma_wait3A_56 = tpu.memref_squeeze %dma_wait3A_55 : memref<1x4096xf32, #tpu.memory_space<hbm>> -> memref<4096xf32, #tpu.memory_space<hbm>>
    tpu.wait_dma2 semaphore(%arg12 : memref<!tpu.dma_semaphore, #tpu.memory_space<semaphore_mem>>) src(%arg8 : memref<4096xf32, #tpu.memory_space<vmem>>) dst(%dma_wait3A_56 : memref<4096xf32, #tpu.memory_space<hbm>>)
    %parallel_loop3A_57 = arith.constant 0 : i32
    %parallel_loop3A_58 = arith.constant 4096 : i32
    %parallel_loop3A_59 = arith.constant 16 : i32
    scf.for %parallel_loop3A_171 = %parallel_loop3A_57 to %parallel_loop3A_58 step %parallel_loop3A_59  : i32 {
      %parallel_loop3A_172 = arith.constant 12288 : i32
      %parallel_loop3A_173 = arith.addi %parallel_loop3A_172, %parallel_loop3A_171 : i32
      %parallel_loop3A_174 = arith.index_cast %parallel_loop3A_173 : i32 to index
      %parallel_loop3A_175 = tpu.vector_load %arg5[%parallel_loop3A_174] {strides = array<i32>} : memref<16384xi32, #tpu.memory_space<vmem>>, vector<16xi32>,
      %parallel_loop3A_176 = tpu.vector_load_idx %arg6[%parallel_loop3A_175] : memref<100000xf32, #tpu.memory_space<vmem>>[vector<16xi32>], vector<16xf32>,
      %parallel_loop3A_177 = arith.index_cast %parallel_loop3A_171 : i32 to index
      %parallel_loop3A_178 = tpu.vector_load %arg8[%parallel_loop3A_177] {strides = array<i32>} : memref<4096xf32, #tpu.memory_space<vmem>>, vector<16xf32>,
      tpu.vector_store %arg8[%parallel_loop3A_177], %parallel_loop3A_176 {strides = array<i32>} : memref<4096xf32, #tpu.memory_space<vmem>>, vector<16xf32>,
    } {sc.loop_unroll_factor = 8 : i64, sc.parallel_access}
    %add3A_60 = arith.constant 1 : i32
    %add3A_61 = arith.addi %mul3A_2, %add3A_60 : i32
    %dma_start3A_62 = arith.constant 0 : i32
    %dma_start3A_63 = tpu.memref_slice %arg2[%add3A_61, %dma_start3A_62] : memref<64x100000xf32, #tpu.memory_space<hbm>> -> memref<1x100000xf32, #tpu.memory_space<hbm>>
    %dma_start3A_64 = tpu.memref_squeeze %dma_start3A_63 : memref<1x100000xf32, #tpu.memory_space<hbm>> -> memref<100000xf32, #tpu.memory_space<hbm>>
    %dma_start3A_65 = arith.constant 0 : i32
    %dma_start3A_66 = tpu.memref_slice %arg2[%add3A_61, %dma_start3A_65] : memref<64x100000xf32, #tpu.memory_space<hbm>> -> memref<1x100000xf32, #tpu.memory_space<hbm>>
    %dma_start3A_67 = tpu.memref_squeeze %dma_start3A_66 : memref<1x100000xf32, #tpu.memory_space<hbm>> -> memref<100000xf32, #tpu.memory_space<hbm>>
    tpu.enqueue_dma source(%dma_start3A_67 : memref<100000xf32, #tpu.memory_space<hbm>>) target(%arg6 : memref<100000xf32, #tpu.memory_space<vmem>>) target_semaphore(%arg10 : memref<!tpu.dma_semaphore, #tpu.memory_space<semaphore_mem>>)
    %dma_start3A_68 = arith.constant 12288 : i32
    %dma_start3A_69 = tpu.memref_slice %arg4[%add3A_14, %dma_start3A_68] : memref<64x16384xf32, #tpu.memory_space<hbm>> -> memref<1x4096xf32, #tpu.memory_space<hbm>>
    %dma_start3A_70 = tpu.memref_squeeze %dma_start3A_69 : memref<1x4096xf32, #tpu.memory_space<hbm>> -> memref<4096xf32, #tpu.memory_space<hbm>>
    %dma_start3A_71 = arith.constant 12288 : i32
    %dma_start3A_72 = tpu.memref_slice %arg4[%add3A_14, %dma_start3A_71] : memref<64x16384xf32, #tpu.memory_space<hbm>> -> memref<1x4096xf32, #tpu.memory_space<hbm>>
    %dma_start3A_73 = tpu.memref_squeeze %dma_start3A_72 : memref<1x4096xf32, #tpu.memory_space<hbm>> -> memref<4096xf32, #tpu.memory_space<hbm>>
    tpu.enqueue_dma source(%arg8 : memref<4096xf32, #tpu.memory_space<vmem>>) target(%dma_start3A_73 : memref<4096xf32, #tpu.memory_space<hbm>>) target_semaphore(%arg12 : memref<!tpu.dma_semaphore, #tpu.memory_space<semaphore_mem>>)
    %add3A_74 = arith.constant 1 : i32
    %add3A_75 = arith.addi %mul3A_2, %add3A_74 : i32
    %dma_wait3A_76 = arith.constant 0 : i32
    %dma_wait3A_77 = tpu.memref_slice %arg2[%add3A_75, %dma_wait3A_76] : memref<64x100000xf32, #tpu.memory_space<hbm>> -> memref<1x100000xf32, #tpu.memory_space<hbm>>
    %dma_wait3A_78 = tpu.memref_squeeze %dma_wait3A_77 : memref<1x100000xf32, #tpu.memory_space<hbm>> -> memref<100000xf32, #tpu.memory_space<hbm>>
    %dma_wait3A_79 = arith.constant 0 : i32
    %dma_wait3A_80 = tpu.memref_slice %arg2[%add3A_75, %dma_wait3A_79] : memref<64x100000xf32, #tpu.memory_space<hbm>> -> memref<1x100000xf32, #tpu.memory_space<hbm>>
    %dma_wait3A_81 = tpu.memref_squeeze %dma_wait3A_80 : memref<1x100000xf32, #tpu.memory_space<hbm>> -> memref<100000xf32, #tpu.memory_space<hbm>>
    tpu.wait_dma2 semaphore(%arg10 : memref<!tpu.dma_semaphore, #tpu.memory_space<semaphore_mem>>) src(%dma_wait3A_81 : memref<100000xf32, #tpu.memory_space<hbm>>) dst(%arg6 : memref<100000xf32, #tpu.memory_space<vmem>>)
    %add3A_82 = arith.constant 1 : i32
    %add3A_83 = arith.addi %mul3A_2, %add3A_82 : i32
    %add3A_84 = arith.constant 0 : i32
    %add3A_85 = arith.addi %mul3A_2, %add3A_84 : i32
    %dma_wait3A_86 = arith.constant 8192 : i32
    %dma_wait3A_87 = tpu.memref_slice %arg4[%add3A_85, %dma_wait3A_86] : memref<64x16384xf32, #tpu.memory_space<hbm>> -> memref<1x4096xf32, #tpu.memory_space<hbm>>
    %dma_wait3A_88 = tpu.memref_squeeze %dma_wait3A_87 : memref<1x4096xf32, #tpu.memory_space<hbm>> -> memref<4096xf32, #tpu.memory_space<hbm>>
    %dma_wait3A_89 = arith.constant 8192 : i32
    %dma_wait3A_90 = tpu.memref_slice %arg4[%add3A_85, %dma_wait3A_89] : memref<64x16384xf32, #tpu.memory_space<hbm>> -> memref<1x4096xf32, #tpu.memory_space<hbm>>
    %dma_wait3A_91 = tpu.memref_squeeze %dma_wait3A_90 : memref<1x4096xf32, #tpu.memory_space<hbm>> -> memref<4096xf32, #tpu.memory_space<hbm>>
    tpu.wait_dma2 semaphore(%arg11 : memref<!tpu.dma_semaphore, #tpu.memory_space<semaphore_mem>>) src(%arg7 : memref<4096xf32, #tpu.memory_space<vmem>>) dst(%dma_wait3A_91 : memref<4096xf32, #tpu.memory_space<hbm>>)
    %parallel_loop3A_92 = arith.constant 0 : i32
    %parallel_loop3A_93 = arith.constant 4096 : i32
    %parallel_loop3A_94 = arith.constant 16 : i32
    scf.for %parallel_loop3A_171 = %parallel_loop3A_92 to %parallel_loop3A_93 step %parallel_loop3A_94  : i32 {
      %parallel_loop3A_172 = arith.constant 0 : i32
      %parallel_loop3A_173 = arith.addi %parallel_loop3A_172, %parallel_loop3A_171 : i32
      %parallel_loop3A_174 = arith.index_cast %parallel_loop3A_173 : i32 to index
      %parallel_loop3A_175 = tpu.vector_load %arg5[%parallel_loop3A_174] {strides = array<i32>} : memref<16384xi32, #tpu.memory_space<vmem>>, vector<16xi32>,
      %parallel_loop3A_176 = tpu.vector_load_idx %arg6[%parallel_loop3A_175] : memref<100000xf32, #tpu.memory_space<vmem>>[vector<16xi32>], vector<16xf32>,
      %parallel_loop3A_177 = arith.index_cast %parallel_loop3A_171 : i32 to index
      %parallel_loop3A_178 = tpu.vector_load %arg7[%parallel_loop3A_177] {strides = array<i32>} : memref<4096xf32, #tpu.memory_space<vmem>>, vector<16xf32>,
      tpu.vector_store %arg7[%parallel_loop3A_177], %parallel_loop3A_176 {strides = array<i32>} : memref<4096xf32, #tpu.memory_space<vmem>>, vector<16xf32>,
    } {sc.loop_unroll_factor = 8 : i64, sc.parallel_access}
    %dma_start3A_95 = arith.constant 0 : i32
    %dma_start3A_96 = tpu.memref_slice %arg4[%add3A_83, %dma_start3A_95] : memref<64x16384xf32, #tpu.memory_space<hbm>> -> memref<1x4096xf32, #tpu.memory_space<hbm>>
    %dma_start3A_97 = tpu.memref_squeeze %dma_start3A_96 : memref<1x4096xf32, #tpu.memory_space<hbm>> -> memref<4096xf32, #tpu.memory_space<hbm>>
    %dma_start3A_98 = arith.constant 0 : i32
    %dma_start3A_99 = tpu.memref_slice %arg4[%add3A_83, %dma_start3A_98] : memref<64x16384xf32, #tpu.memory_space<hbm>> -> memref<1x4096xf32, #tpu.memory_space<hbm>>
    %dma_start3A_100 = tpu.memref_squeeze %dma_start3A_99 : memref<1x4096xf32, #tpu.memory_space<hbm>> -> memref<4096xf32, #tpu.memory_space<hbm>>
    tpu.enqueue_dma source(%arg7 : memref<4096xf32, #tpu.memory_space<vmem>>) target(%dma_start3A_100 : memref<4096xf32, #tpu.memory_space<hbm>>) target_semaphore(%arg11 : memref<!tpu.dma_semaphore, #tpu.memory_space<semaphore_mem>>)
    %add3A_101 = arith.constant 0 : i32
    %add3A_102 = arith.addi %mul3A_2, %add3A_101 : i32
    %dma_wait3A_103 = arith.constant 12288 : i32
    %dma_wait3A_104 = tpu.memref_slice %arg4[%add3A_102, %dma_wait3A_103] : memref<64x16384xf32, #tpu.memory_space<hbm>> -> memref<1x4096xf32, #tpu.memory_space<hbm>>
    %dma_wait3A_105 = tpu.memref_squeeze %dma_wait3A_104 : memref<1x4096xf32, #tpu.memory_space<hbm>> -> memref<4096xf32, #tpu.memory_space<hbm>>
    %dma_wait3A_106 = arith.constant 12288 : i32
    %dma_wait3A_107 = tpu.memref_slice %arg4[%add3A_102, %dma_wait3A_106] : memref<64x16384xf32, #tpu.memory_space<hbm>> -> memref<1x4096xf32, #tpu.memory_space<hbm>>
    %dma_wait3A_108 = tpu.memref_squeeze %dma_wait3A_107 : memref<1x4096xf32, #tpu.memory_space<hbm>> -> memref<4096xf32, #tpu.memory_space<hbm>>
    tpu.wait_dma2 semaphore(%arg12 : memref<!tpu.dma_semaphore, #tpu.memory_space<semaphore_mem>>) src(%arg8 : memref<4096xf32, #tpu.memory_space<vmem>>) dst(%dma_wait3A_108 : memref<4096xf32, #tpu.memory_space<hbm>>)
    %parallel_loop3A_109 = arith.constant 0 : i32
    %parallel_loop3A_110 = arith.constant 4096 : i32
    %parallel_loop3A_111 = arith.constant 16 : i32
    scf.for %parallel_loop3A_171 = %parallel_loop3A_109 to %parallel_loop3A_110 step %parallel_loop3A_111  : i32 {
      %parallel_loop3A_172 = arith.constant 4096 : i32
      %parallel_loop3A_173 = arith.addi %parallel_loop3A_172, %parallel_loop3A_171 : i32
      %parallel_loop3A_174 = arith.index_cast %parallel_loop3A_173 : i32 to index
      %parallel_loop3A_175 = tpu.vector_load %arg5[%parallel_loop3A_174] {strides = array<i32>} : memref<16384xi32, #tpu.memory_space<vmem>>, vector<16xi32>,
      %parallel_loop3A_176 = tpu.vector_load_idx %arg6[%parallel_loop3A_175] : memref<100000xf32, #tpu.memory_space<vmem>>[vector<16xi32>], vector<16xf32>,
      %parallel_loop3A_177 = arith.index_cast %parallel_loop3A_171 : i32 to index
      %parallel_loop3A_178 = tpu.vector_load %arg8[%parallel_loop3A_177] {strides = array<i32>} : memref<4096xf32, #tpu.memory_space<vmem>>, vector<16xf32>,
      tpu.vector_store %arg8[%parallel_loop3A_177], %parallel_loop3A_176 {strides = array<i32>} : memref<4096xf32, #tpu.memory_space<vmem>>, vector<16xf32>,
    } {sc.loop_unroll_factor = 8 : i64, sc.parallel_access}
    %dma_start3A_112 = arith.constant 4096 : i32
    %dma_start3A_113 = tpu.memref_slice %arg4[%add3A_83, %dma_start3A_112] : memref<64x16384xf32, #tpu.memory_space<hbm>> -> memref<1x4096xf32, #tpu.memory_space<hbm>>
    %dma_start3A_114 = tpu.memref_squeeze %dma_start3A_113 : memref<1x4096xf32, #tpu.memory_space<hbm>> -> memref<4096xf32, #tpu.memory_space<hbm>>
    %dma_start3A_115 = arith.constant 4096 : i32
    %dma_start3A_116 = tpu.memref_slice %arg4[%add3A_83, %dma_start3A_115] : memref<64x16384xf32, #tpu.memory_space<hbm>> -> memref<1x4096xf32, #tpu.memory_space<hbm>>
    %dma_start3A_117 = tpu.memref_squeeze %dma_start3A_116 : memref<1x4096xf32, #tpu.memory_space<hbm>> -> memref<4096xf32, #tpu.memory_space<hbm>>
    tpu.enqueue_dma source(%arg8 : memref<4096xf32, #tpu.memory_space<vmem>>) target(%dma_start3A_117 : memref<4096xf32, #tpu.memory_space<hbm>>) target_semaphore(%arg12 : memref<!tpu.dma_semaphore, #tpu.memory_space<semaphore_mem>>)
    %add3A_118 = arith.constant 1 : i32
    %add3A_119 = arith.addi %mul3A_2, %add3A_118 : i32
    %dma_wait3A_120 = arith.constant 0 : i32
    %dma_wait3A_121 = tpu.memref_slice %arg4[%add3A_119, %dma_wait3A_120] : memref<64x16384xf32, #tpu.memory_space<hbm>> -> memref<1x4096xf32, #tpu.memory_space<hbm>>
    %dma_wait3A_122 = tpu.memref_squeeze %dma_wait3A_121 : memref<1x4096xf32, #tpu.memory_space<hbm>> -> memref<4096xf32, #tpu.memory_space<hbm>>
    %dma_wait3A_123 = arith.constant 0 : i32
    %dma_wait3A_124 = tpu.memref_slice %arg4[%add3A_119, %dma_wait3A_123] : memref<64x16384xf32, #tpu.memory_space<hbm>> -> memref<1x4096xf32, #tpu.memory_space<hbm>>
    %dma_wait3A_125 = tpu.memref_squeeze %dma_wait3A_124 : memref<1x4096xf32, #tpu.memory_space<hbm>> -> memref<4096xf32, #tpu.memory_space<hbm>>
    tpu.wait_dma2 semaphore(%arg11 : memref<!tpu.dma_semaphore, #tpu.memory_space<semaphore_mem>>) src(%arg7 : memref<4096xf32, #tpu.memory_space<vmem>>) dst(%dma_wait3A_125 : memref<4096xf32, #tpu.memory_space<hbm>>)
    %parallel_loop3A_126 = arith.constant 0 : i32
    %parallel_loop3A_127 = arith.constant 4096 : i32
    %parallel_loop3A_128 = arith.constant 16 : i32
    scf.for %parallel_loop3A_171 = %parallel_loop3A_126 to %parallel_loop3A_127 step %parallel_loop3A_128  : i32 {
      %parallel_loop3A_172 = arith.constant 8192 : i32
      %parallel_loop3A_173 = arith.addi %parallel_loop3A_172, %parallel_loop3A_171 : i32
      %parallel_loop3A_174 = arith.index_cast %parallel_loop3A_173 : i32 to index
      %parallel_loop3A_175 = tpu.vector_load %arg5[%parallel_loop3A_174] {strides = array<i32>} : memref<16384xi32, #tpu.memory_space<vmem>>, vector<16xi32>,
      %parallel_loop3A_176 = tpu.vector_load_idx %arg6[%parallel_loop3A_175] : memref<100000xf32, #tpu.memory_space<vmem>>[vector<16xi32>], vector<16xf32>,
      %parallel_loop3A_177 = arith.index_cast %parallel_loop3A_171 : i32 to index
      %parallel_loop3A_178 = tpu.vector_load %arg7[%parallel_loop3A_177] {strides = array<i32>} : memref<4096xf32, #tpu.memory_space<vmem>>, vector<16xf32>,
      tpu.vector_store %arg7[%parallel_loop3A_177], %parallel_loop3A_176 {strides = array<i32>} : memref<4096xf32, #tpu.memory_space<vmem>>, vector<16xf32>,
    } {sc.loop_unroll_factor = 8 : i64, sc.parallel_access}
    %dma_start3A_129 = arith.constant 8192 : i32
    %dma_start3A_130 = tpu.memref_slice %arg4[%add3A_83, %dma_start3A_129] : memref<64x16384xf32, #tpu.memory_space<hbm>> -> memref<1x4096xf32, #tpu.memory_space<hbm>>
    %dma_start3A_131 = tpu.memref_squeeze %dma_start3A_130 : memref<1x4096xf32, #tpu.memory_space<hbm>> -> memref<4096xf32, #tpu.memory_space<hbm>>
    %dma_start3A_132 = arith.constant 8192 : i32
    %dma_start3A_133 = tpu.memref_slice %arg4[%add3A_83, %dma_start3A_132] : memref<64x16384xf32, #tpu.memory_space<hbm>> -> memref<1x4096xf32, #tpu.memory_space<hbm>>
    %dma_start3A_134 = tpu.memref_squeeze %dma_start3A_133 : memref<1x4096xf32, #tpu.memory_space<hbm>> -> memref<4096xf32, #tpu.memory_space<hbm>>
    tpu.enqueue_dma source(%arg7 : memref<4096xf32, #tpu.memory_space<vmem>>) target(%dma_start3A_134 : memref<4096xf32, #tpu.memory_space<hbm>>) target_semaphore(%arg11 : memref<!tpu.dma_semaphore, #tpu.memory_space<semaphore_mem>>)
    %add3A_135 = arith.constant 1 : i32
    %add3A_136 = arith.addi %mul3A_2, %add3A_135 : i32
    %dma_wait3A_137 = arith.constant 4096 : i32
    %dma_wait3A_138 = tpu.memref_slice %arg4[%add3A_136, %dma_wait3A_137] : memref<64x16384xf32, #tpu.memory_space<hbm>> -> memref<1x4096xf32, #tpu.memory_space<hbm>>
    %dma_wait3A_139 = tpu.memref_squeeze %dma_wait3A_138 : memref<1x4096xf32, #tpu.memory_space<hbm>> -> memref<4096xf32, #tpu.memory_space<hbm>>
    %dma_wait3A_140 = arith.constant 4096 : i32
    %dma_wait3A_141 = tpu.memref_slice %arg4[%add3A_136, %dma_wait3A_140] : memref<64x16384xf32, #tpu.memory_space<hbm>> -> memref<1x4096xf32, #tpu.memory_space<hbm>>
    %dma_wait3A_142 = tpu.memref_squeeze %dma_wait3A_141 : memref<1x4096xf32, #tpu.memory_space<hbm>> -> memref<4096xf32, #tpu.memory_space<hbm>>
    tpu.wait_dma2 semaphore(%arg12 : memref<!tpu.dma_semaphore, #tpu.memory_space<semaphore_mem>>) src(%arg8 : memref<4096xf32, #tpu.memory_space<vmem>>) dst(%dma_wait3A_142 : memref<4096xf32, #tpu.memory_space<hbm>>)
    %parallel_loop3A_143 = arith.constant 0 : i32
    %parallel_loop3A_144 = arith.constant 4096 : i32
    %parallel_loop3A_145 = arith.constant 16 : i32
    scf.for %parallel_loop3A_171 = %parallel_loop3A_143 to %parallel_loop3A_144 step %parallel_loop3A_145  : i32 {
      %parallel_loop3A_172 = arith.constant 12288 : i32
      %parallel_loop3A_173 = arith.addi %parallel_loop3A_172, %parallel_loop3A_171 : i32
      %parallel_loop3A_174 = arith.index_cast %parallel_loop3A_173 : i32 to index
      %parallel_loop3A_175 = tpu.vector_load %arg5[%parallel_loop3A_174] {strides = array<i32>} : memref<16384xi32, #tpu.memory_space<vmem>>, vector<16xi32>,
      %parallel_loop3A_176 = tpu.vector_load_idx %arg6[%parallel_loop3A_175] : memref<100000xf32, #tpu.memory_space<vmem>>[vector<16xi32>], vector<16xf32>,
      %parallel_loop3A_177 = arith.index_cast %parallel_loop3A_171 : i32 to index
      %parallel_loop3A_178 = tpu.vector_load %arg8[%parallel_loop3A_177] {strides = array<i32>} : memref<4096xf32, #tpu.memory_space<vmem>>, vector<16xf32>,
      tpu.vector_store %arg8[%parallel_loop3A_177], %parallel_loop3A_176 {strides = array<i32>} : memref<4096xf32, #tpu.memory_space<vmem>>, vector<16xf32>,
    } {sc.loop_unroll_factor = 8 : i64, sc.parallel_access}
    %dma_start3A_146 = arith.constant 12288 : i32
    %dma_start3A_147 = tpu.memref_slice %arg4[%add3A_83, %dma_start3A_146] : memref<64x16384xf32, #tpu.memory_space<hbm>> -> memref<1x4096xf32, #tpu.memory_space<hbm>>
    %dma_start3A_148 = tpu.memref_squeeze %dma_start3A_147 : memref<1x4096xf32, #tpu.memory_space<hbm>> -> memref<4096xf32, #tpu.memory_space<hbm>>
    %dma_start3A_149 = arith.constant 12288 : i32
    %dma_start3A_150 = tpu.memref_slice %arg4[%add3A_83, %dma_start3A_149] : memref<64x16384xf32, #tpu.memory_space<hbm>> -> memref<1x4096xf32, #tpu.memory_space<hbm>>
    %dma_start3A_151 = tpu.memref_squeeze %dma_start3A_150 : memref<1x4096xf32, #tpu.memory_space<hbm>> -> memref<4096xf32, #tpu.memory_space<hbm>>
    tpu.enqueue_dma source(%arg8 : memref<4096xf32, #tpu.memory_space<vmem>>) target(%dma_start3A_151 : memref<4096xf32, #tpu.memory_space<hbm>>) target_semaphore(%arg12 : memref<!tpu.dma_semaphore, #tpu.memory_space<semaphore_mem>>)
    %add3A_152 = arith.constant 2 : i32
    %add3A_153 = arith.addi %mul3A_2, %add3A_152 : i32
    %sub3A = arith.constant 1 : i32
    %sub3A_154 = arith.subi %add3A_153, %sub3A : i32
    %dma_wait3A_155 = arith.constant 8192 : i32
    %dma_wait3A_156 = tpu.memref_slice %arg4[%sub3A_154, %dma_wait3A_155] : memref<64x16384xf32, #tpu.memory_space<hbm>> -> memref<1x4096xf32, #tpu.memory_space<hbm>>
    %dma_wait3A_157 = tpu.memref_squeeze %dma_wait3A_156 : memref<1x4096xf32, #tpu.memory_space<hbm>> -> memref<4096xf32, #tpu.memory_space<hbm>>
    %dma_wait3A_158 = arith.constant 8192 : i32
    %dma_wait3A_159 = tpu.memref_slice %arg4[%sub3A_154, %dma_wait3A_158] : memref<64x16384xf32, #tpu.memory_space<hbm>> -> memref<1x4096xf32, #tpu.memory_space<hbm>>
    %dma_wait3A_160 = tpu.memref_squeeze %dma_wait3A_159 : memref<1x4096xf32, #tpu.memory_space<hbm>> -> memref<4096xf32, #tpu.memory_space<hbm>>
    tpu.wait_dma2 semaphore(%arg11 : memref<!tpu.dma_semaphore, #tpu.memory_space<semaphore_mem>>) src(%arg7 : memref<4096xf32, #tpu.memory_space<vmem>>) dst(%dma_wait3A_160 : memref<4096xf32, #tpu.memory_space<hbm>>)
    %add3A_161 = arith.constant 2 : i32
    %add3A_162 = arith.addi %mul3A_2, %add3A_161 : i32
    %sub3A_163 = arith.constant 1 : i32
    %sub3A_164 = arith.subi %add3A_162, %sub3A_163 : i32
    %dma_wait3A_165 = arith.constant 12288 : i32
    %dma_wait3A_166 = tpu.memref_slice %arg4[%sub3A_164, %dma_wait3A_165] : memref<64x16384xf32, #tpu.memory_space<hbm>> -> memref<1x4096xf32, #tpu.memory_space<hbm>>
    %dma_wait3A_167 = tpu.memref_squeeze %dma_wait3A_166 : memref<1x4096xf32, #tpu.memory_space<hbm>> -> memref<4096xf32, #tpu.memory_space<hbm>>
    %dma_wait3A_168 = arith.constant 12288 : i32
    %dma_wait3A_169 = tpu.memref_slice %arg4[%sub3A_164, %dma_wait3A_168] : memref<64x16384xf32, #tpu.memory_space<hbm>> -> memref<1x4096xf32, #tpu.memory_space<hbm>>
    %dma_wait3A_170 = tpu.memref_squeeze %dma_wait3A_169 : memref<1x4096xf32, #tpu.memory_space<hbm>> -> memref<4096xf32, #tpu.memory_space<hbm>>
    tpu.wait_dma2 semaphore(%arg12 : memref<!tpu.dma_semaphore, #tpu.memory_space<semaphore_mem>>) src(%arg8 : memref<4096xf32, #tpu.memory_space<vmem>>) dst(%dma_wait3A_170 : memref<4096xf32, #tpu.memory_space<hbm>>)
    return
  }
}

module attributes {stable_mosaic.version = 14 : i64} {
  func.func @_mlp_body(%arg0: i32, %arg1: memref<64x8192xf32, #tpu.memory_space<vmem>>, %arg2: memref<64x64xf32, #tpu.memory_space<vmem>>, %arg3: memref<64x1xf32, #tpu.memory_space<vmem>>, %arg4: memref<128x64xf32, #tpu.memory_space<vmem>>, %arg5: memref<128x1xf32, #tpu.memory_space<vmem>>, %arg6: memref<64x128xf32, #tpu.memory_space<vmem>>, %arg7: memref<64x1xf32, #tpu.memory_space<vmem>>, %arg8: memref<64x8192xf32, #tpu.memory_space<vmem>>) attributes {dimension_semantics = [#tpu.dimension_semantics<arbitrary>], iteration_bounds = array<i64: 2>, scalar_prefetch = 0 : i64, scratch_operands = 0 : i64, tpu.core_type = #tpu.core_type<tc>, window_params = [{transform_indices = @transform_0, window_bounds = array<i64: 64, 8192>}, {pipeline_mode = #tpu.pipeline_mode<synchronous>, transform_indices = @transform_1, window_bounds = array<i64: 64, 64>}, {pipeline_mode = #tpu.pipeline_mode<synchronous>, transform_indices = @transform_2, window_bounds = array<i64: 64, 1>}, {pipeline_mode = #tpu.pipeline_mode<synchronous>, transform_indices = @transform_3, window_bounds = array<i64: 128, 64>}, {pipeline_mode = #tpu.pipeline_mode<synchronous>, transform_indices = @transform_4, window_bounds = array<i64: 128, 1>}, {pipeline_mode = #tpu.pipeline_mode<synchronous>, transform_indices = @transform_5, window_bounds = array<i64: 64, 128>}, {pipeline_mode = #tpu.pipeline_mode<synchronous>, transform_indices = @transform_6, window_bounds = array<i64: 64, 1>}, {transform_indices = @transform_7, window_bounds = array<i64: 64, 8192>}]} {
    %get3A = arith.constant 0 : index
    %get3A_0 = arith.constant 0 : index
    %get3A_1 = vector.load %arg1[%get3A, %get3A_0] : memref<64x8192xf32, #tpu.memory_space<vmem>>, vector<64x8192xf32>
    %get3A_2 = arith.constant 0 : index
    %get3A_3 = arith.constant 0 : index
    %get3A_4 = vector.load %arg2[%get3A_2, %get3A_3] : memref<64x64xf32, #tpu.memory_space<vmem>>, vector<64x64xf32>
    %dot_general3A = arith.constant dense<0.000000e+00> : vector<64x8192xf32>
    %dot_general3A_5 = tpu.matmul %get3A_4, %get3A_1, %dot_general3A {dimension_numbers = #tpu.dot_dimension_numbers<[1], [0], [0], [1], [0, 0, 1, 1], [], []>, transpose_lhs_hint = false} : vector<64x64xf32>, vector<64x8192xf32>, vector<64x8192xf32> -> vector<64x8192xf32>
    %get3A_6 = arith.constant 0 : index
    %get3A_7 = arith.constant 0 : index
    %get3A_8 = vector.load %arg3[%get3A_6, %get3A_7] : memref<64x1xf32, #tpu.memory_space<vmem>>, vector<64x1xf32>
    %add3A = vector.broadcast %get3A_8 : vector<64x1xf32> to vector<64x8192xf32>
    %add3A_9 = arith.addf %dot_general3A_5, %add3A : vector<64x8192xf32>
    %get3A_10 = arith.constant 0 : index
    %get3A_11 = arith.constant 0 : index
    %get3A_12 = vector.load %arg4[%get3A_10, %get3A_11] : memref<128x64xf32, #tpu.memory_space<vmem>>, vector<128x64xf32>
    %dot_general3A_13 = arith.constant dense<0.000000e+00> : vector<128x8192xf32>
    %dot_general3A_14 = tpu.matmul %get3A_12, %add3A_9, %dot_general3A_13 {dimension_numbers = #tpu.dot_dimension_numbers<[1], [0], [0], [1], [0, 0, 1, 1], [], []>, transpose_lhs_hint = false} : vector<128x64xf32>, vector<64x8192xf32>, vector<128x8192xf32> -> vector<128x8192xf32>
    %get3A_15 = arith.constant 0 : index
    %get3A_16 = arith.constant 0 : index
    %get3A_17 = vector.load %arg5[%get3A_15, %get3A_16] : memref<128x1xf32, #tpu.memory_space<vmem>>, vector<128x1xf32>
    %add3A_18 = vector.broadcast %get3A_17 : vector<128x1xf32> to vector<128x8192xf32>
    %add3A_19 = arith.addf %dot_general3A_14, %add3A_18 : vector<128x8192xf32>
    %max3A = arith.constant 0.000000e+00 : f32
    %max3A_20 = vector.broadcast %max3A : f32 to vector<128x8192xf32>
    %max3A_21 = arith.maximumf %add3A_19, %max3A_20 : vector<128x8192xf32>
    %get3A_22 = arith.constant 0 : index
    %get3A_23 = arith.constant 0 : index
    %get3A_24 = vector.load %arg6[%get3A_22, %get3A_23] : memref<64x128xf32, #tpu.memory_space<vmem>>, vector<64x128xf32>
    %dot_general3A_25 = arith.constant dense<0.000000e+00> : vector<64x8192xf32>
    %dot_general3A_26 = tpu.matmul %get3A_24, %max3A_21, %dot_general3A_25 {dimension_numbers = #tpu.dot_dimension_numbers<[1], [0], [0], [1], [0, 0, 1, 1], [], []>, transpose_lhs_hint = false} : vector<64x128xf32>, vector<128x8192xf32>, vector<64x8192xf32> -> vector<64x8192xf32>
    %get3A_27 = arith.constant 0 : index
    %get3A_28 = arith.constant 0 : index
    %get3A_29 = vector.load %arg7[%get3A_27, %get3A_28] : memref<64x1xf32, #tpu.memory_space<vmem>>, vector<64x1xf32>
    %add3A_30 = vector.broadcast %get3A_29 : vector<64x1xf32> to vector<64x8192xf32>
    %add3A_31 = arith.addf %dot_general3A_26, %add3A_30 : vector<64x8192xf32>
    %swap3A = arith.constant 0 : index
    %swap3A_32 = arith.constant 0 : index
    %swap3A_33 = vector.load %arg8[%swap3A, %swap3A_32] : memref<64x8192xf32, #tpu.memory_space<vmem>>, vector<64x8192xf32>
    tpu.vector_store %arg8[%swap3A, %swap3A_32], %add3A_31 {strides = array<i32>} : memref<64x8192xf32, #tpu.memory_space<vmem>>, vector<64x8192xf32>,
    return
  }
  func.func @transform_0(%arg0: i32) -> (i32, i32) {
    %c0_i32 = arith.constant 0 : i32
    %c0_i32_0 = arith.constant 0 : i32
    return %c0_i32, %arg0 : i32, i32
  }
  func.func @transform_1(%arg0: i32) -> (i32, i32) {
    %c0_i32 = arith.constant 0 : i32
    %c0_i32_0 = arith.constant 0 : i32
    %c0_i32_1 = arith.constant 0 : i32
    return %c0_i32, %c0_i32_0 : i32, i32
  }
  func.func @transform_2(%arg0: i32) -> (i32, i32) {
    %c0_i32 = arith.constant 0 : i32
    %c0_i32_0 = arith.constant 0 : i32
    %c0_i32_1 = arith.constant 0 : i32
    return %c0_i32, %c0_i32_0 : i32, i32
  }
  func.func @transform_3(%arg0: i32) -> (i32, i32) {
    %c0_i32 = arith.constant 0 : i32
    %c0_i32_0 = arith.constant 0 : i32
    %c0_i32_1 = arith.constant 0 : i32
    return %c0_i32, %c0_i32_0 : i32, i32
  }
  func.func @transform_4(%arg0: i32) -> (i32, i32) {
    %c0_i32 = arith.constant 0 : i32
    %c0_i32_0 = arith.constant 0 : i32
    %c0_i32_1 = arith.constant 0 : i32
    return %c0_i32, %c0_i32_0 : i32, i32
  }
  func.func @transform_5(%arg0: i32) -> (i32, i32) {
    %c0_i32 = arith.constant 0 : i32
    %c0_i32_0 = arith.constant 0 : i32
    %c0_i32_1 = arith.constant 0 : i32
    return %c0_i32, %c0_i32_0 : i32, i32
  }
  func.func @transform_6(%arg0: i32) -> (i32, i32) {
    %c0_i32 = arith.constant 0 : i32
    %c0_i32_0 = arith.constant 0 : i32
    %c0_i32_1 = arith.constant 0 : i32
    return %c0_i32, %c0_i32_0 : i32, i32
  }
  func.func @transform_7(%arg0: i32) -> (i32, i32) {
    %c0_i32 = arith.constant 0 : i32
    %c0_i32_0 = arith.constant 0 : i32
    return %c0_i32, %arg0 : i32, i32
  }
}

</mosaic_0001>

<sc_bundles>
// kernel: kernel.4.cloned.1.call-start
scs
__scs_entry_jumppad:
0x0: {  	(pc) =	sbr.rel $0x88, $3  }
0x1: {  	(tag) =	ssettag $0x0;
	lr =	simm.s32 $0x1  }
0x2: {  	[smem:$0x3F99] =	sst lr;
	_ =	strace $0xD0000000  }
0x3: {  	_ = 	snop  }
0x4: {  	_ = 	snop  }
0x5: {  	_ = 	snop  }
0x6: {  	_ = 	snop  }
0x7: {  	_ = 	snop  }
__scs_overlays_trampoline_lowered:
0x8: {  	[smem:$0x3FA8] =	sst s0  }
0x9: {  	[smem:$0x3FA9] =	sst s1  }
0xa: {  	[smem:$0x3FAA] =	sst s2  }
0xb: {  	[smem:$0x3FAB] =	sst s3  }
0xc: {  	[smem:$0x3FAC] =	sst s4  }
0xd: {  	[smem:$0x3FAD] =	sst s5  }
0xe: {  	[smem:$0x3FAE] =	sst s6  }
0xf: {  	[smem:$0x3FAF] =	sst s7  }
0x10: {  	[smem:$0x3FB0] =	sst s8  }
0x11: {  	[smem:$0x3FB1] =	sst s9;
	s0 =	simm.s32 @!p0 $0x0  }
0x12: {  	s1 =	sld [smem:$0x3F97];
	s0 =	simm.s32 @p0 $0x1  }
0x13: {  	[smem:$0x3FB2] =	sst s0;
	s0 =	simm.s32 @!p1 $0x0  }
0x14: {  	s2 =	sld [smem:$0x3F96];
	s0 =	simm.s32 @p1 $0x1  }
0x15: {  	[smem:$0x3FB3] =	sst s0;
	s0 =	simm.s32 @!p2 $0x0  }
0x16: {  	s3 =	sld [smem:$0x3FDB];
	s0 =	simm.s32 @p2 $0x1  }
0x17: {  	s4 =	simm.s32 $0x1BF5;
	[smem:$0x3FB5] =	sst s0  }
0x18: {  	s0 =	sld [smem:$0x3F98];
	_ =	swait.ge [sflag:s4], $0x0  }
0x19: {  	s7 =	sld [smem:$0x3F99]  }
0x1a: {  	s8 =	sadd.s32 $0xFFFFE003, lr  }
0x1b: {  	s9 =	sadd.s32 $0xFFFFFEF7, lr;
	s5 =	simm.s32 $0xFFFFFFFF;
	p2 =	slt.u32 s8, $0xFFFFF086  }
0x1c: {  	p1 =	slt.u32 s9, $0xF7A;
	s5 =	simm.s32 @!p2 $0x0  }
0x1d: {  	s5 =	simm.s32 @p1 $0x1;
	p0 =	seq.s32 s7, s2  }
0x1e: {  	s7 =	smul.u32 @!p0 $0xF7A, s2;
	p2 =	seq.s32 @!p0 s5, $0x0  }
0x1f: {  	s9 =	smul.u32 $0xF7A, s1;
	s8 =	simm.s32 @!p0 $0x1BF5;
	p2 =	por !p2, p0  }
0x20: {  	[sflag:s8] =	ssyncset.s32 @!p0 $0xFFFFF086;
	s6 =	sadd.s32 @!p0 s3, s7;
	s7 =	simm.s32 @!p0 $0x108  }
0x21: {  	s3 =	sadd.s32 s3, s9;
	s6 =	sadd.s32 @!p0 $0x88, s6;
	s7 =	simm.s32 @p2 $0x1082  }
0x22: {  	[simem:s7], [sflag:s8] =	dma.local @!p0 [hbm:s6], $0xF7A  }
0x23: {  	s9 =	sor.u32 $0xD0000000, s2;
	s6 =	simm.s32 $0x108;
	_ =	swait.ge @!p0 [sflag:s8], $0x0  }
0x24: {  	s3 =	sadd.s32 $0x88, s3;
	s6 =	simm.s32 @!p1 $0x1082;
	[sflag:s4] =	ssyncset.s32 $0xFFFFF086  }
0x25: {  	[simem:s6], [sflag:s4] =	dma.local [hbm:s3], $0xF7A  }
0x26: {  	[smem:$0x3F99] =	sst s1;
	(tag) =	ssettag s2;
	_ =	strace s9  }
0x27: {  	s1 =	sld [smem:$0x3FA9]  }
0x28: {  	s2 =	sld [smem:$0x3FAA]  }
0x29: {  	s4 =	sld [smem:$0x3FAC]  }
0x2a: {  	p0 =	seq.s32 s5, $0x0;
	s5 =	sld [smem:$0x3FAD]  }
0x2b: {  	s6 =	sld [smem:$0x3FAE]  }
0x2c: {  	s7 =	sld [smem:$0x3FAF]  }
0x2d: {  	s3 =	simm.s32 $0x108;
	s8 =	sld [smem:$0x3FB0]  }
0x2e: {  	s3 =	simm.s32 @!p0 $0x1082;
	s9 =	sld [smem:$0x3FB1]  }
0x2f: {  	lr =	sadd.s32 s0, s3;
	s0 =	sld [smem:$0x3FA8]  }
0x30: {  	s3 =	sld [smem:$0x3FAB]  }
0x31: {  	[smem:$0x3FB4] =	sst s10  }
0x32: {  	s10 =	sld [smem:$0x3FB2];
	_ =	sdelay $0x3  }
0x33: {  	p0 =	seq.s32 s10, $0x1;
	s10 =	sld [smem:$0x3FB4];
	_ =	sdelay $0x3  }
0x34: {  	[smem:$0x3FB4] =	sst s10  }
0x35: {  	s10 =	sld [smem:$0x3FB3];
	_ =	sdelay $0x3  }
0x36: {  	p1 =	seq.s32 s10, $0x1;
	s10 =	sld [smem:$0x3FB4];
	_ =	sdelay $0x3  }
0x37: {  	[smem:$0x3FB4] =	sst s10  }
0x38: {  	s10 =	sld [smem:$0x3FB5]  }
0x39: {  	_ = 	snop;
	(pc) =	sbr.ind lr, $3  }
0x3a: {  	_ = 	snop  }
0x3b: {  	_ = 	snop  }
0x3c: {  	p2 =	seq.s32 s10, $0x1;
	s10 =	sld [smem:$0x3FB4]  }
0x3d: {  	_ =	shalt  }
0x3e: {  	_ =	shalt  }
0x3f: {  	_ =	shalt  }
0x40: {  	_ =	shalt  }
0x41: {  	_ =	shalt  }
0x42: {  	_ =	shalt  }
0x43: {  	_ =	shalt  }
0x44: {  	_ =	shalt  }
0x45: {  	_ =	shalt  }
0x46: {  	_ =	shalt  }
0x47: {  	_ =	shalt  }
0x48: {  	_ =	shalt  }
0x49: {  	_ =	shalt  }
0x4a: {  	_ =	shalt  }
0x4b: {  	_ =	shalt  }
0x4c: {  	_ =	shalt  }
0x4d: {  	_ =	shalt  }
0x4e: {  	_ =	shalt  }
0x4f: {  	_ =	shalt  }
0x50: {  	_ =	shalt  }
0x51: {  	_ =	shalt  }
0x52: {  	_ =	shalt  }
0x53: {  	_ =	shalt  }
0x54: {  	_ =	shalt  }
0x55: {  	_ =	shalt  }
0x56: {  	_ =	shalt  }
0x57: {  	_ =	shalt  }
0x58: {  	_ =	shalt  }
0x59: {  	_ =	shalt  }
0x5a: {  	_ =	shalt  }
0x5b: {  	_ =	shalt  }
0x5c: {  	_ =	shalt  }
0x5d: {  	_ =	shalt  }
0x5e: {  	_ =	shalt  }
0x5f: {  	_ =	shalt  }
0x60: {  	_ =	shalt  }
0x61: {  	_ =	shalt  }
0x62: {  	_ =	shalt  }
0x63: {  	_ =	shalt  }
0x64: {  	_ =	shalt  }
0x65: {  	_ =	shalt  }
0x66: {  	_ =	shalt  }
0x67: {  	_ =	shalt  }
0x68: {  	_ =	shalt  }
0x69: {  	_ =	shalt  }
0x6a: {  	_ =	shalt  }
0x6b: {  	_ =	shalt  }
0x6c: {  	_ =	shalt  }
0x6d: {  	_ =	shalt  }
0x6e: {  	_ =	shalt  }
0x6f: {  	_ =	shalt  }
0x70: {  	_ =	shalt  }
0x71: {  	_ =	shalt  }
0x72: {  	_ =	shalt  }
0x73: {  	_ =	shalt  }
0x74: {  	_ =	shalt  }
0x75: {  	_ =	shalt  }
0x76: {  	_ =	shalt  }
0x77: {  	_ =	shalt  }
0x78: {  	_ =	shalt  }
0x79: {  	_ =	shalt  }
0x7a: {  	_ =	shalt  }
0x7b: {  	_ =	shalt  }
0x7c: {  	_ =	shalt  }
0x7d: {  	_ =	shalt  }
0x7e: {  	_ =	shalt  }
0x7f: {  	_ =	shalt  }
0x80: {  	_ =	shalt  }
0x81: {  	_ =	shalt  }
0x82: {  	_ =	shalt  }
0x83: {  	_ =	shalt  }
0x84: {  	_ =	shalt  }
0x85: {  	_ =	shalt  }
0x86: {  	_ =	shalt  }
0x87: {  	_ =	shalt  }
.Lfunc_end0:
.L_simem_size_0:
called_computation_lowered:
.L_overlay_start_0:
0x88: {  	s2 =	sld [smem:$0x3FD9]  }
0x89: {  	s3 =	sld [smem:$0x3FFE];
	_ =	sdelay $0x1  }
0x8a: {  	s1 =	srdreg.scid  }
0x8b: {  	s0 =	sand.u32 $0x1, s1  }
0x8c: {  	s18 =	sshll.u32 s0, $0xA;
	s2 =	sadd.s32 s3, s2  }
0x8d: {  	s2 =	sadd.s32 s2, s18  }
0x8e: {  	[smem:$0x3FC0] =	sst s2  }
0x8f: {  	_ = 	snop  }
0x90: {  	s2 =	sld [smem:$0x3FC9]  }
0x91: {  	s19 =	sld [smem:$0x3FC8]  }
0x92: {  	s4 =	sld [smem:$0x3FD0];
	(tm) =	ssettm $0x1  }
0x93: {  	s5 =	sld [smem:$0x3FFB];
	_ =	sdelay $0x3  }
0x94: {  	_ =	strace s5  }
0x95: {  	s5 =	sld [smem:$0x3FFC];
	_ =	sdelay $0x3  }
0x96: {  	_ =	strace s5  }
0x97: {  	s5 =	sld [smem:$0x3FFD];
	_ =	sdelay $0x3  }
0x98: {  	_ =	strace s5  }
0x99: {  	_ =	strace $0x8FFFFFFF  }
0x9a: {  	s20 =	sld [smem:$0x3FDB];
	_ =	sdelay $0x1  }
0x9b: {  	s6 =	simm.s32 $_scs_section_size  }
0x9c: {  	s7 =	simm.s32 $_size__tile_overlayer_lowered;
	s8 =	simm.s32 $_tile_overlayer_lowered  }
0x9d: {  	s23 =	simm.s32 $0x1BFF;
	s22 =	sshll.u32 s8, $0x1;
	s5 =	sadd.s32 s6, s20  }
0x9e: {  	s9 =	simm.s32 $0x0;
	s21 =	sshll.u32 s7, $0x1;
	s7 =	sadd.s32 s22, s5  }
0x9f: {  	[timem:s9], [sflag:s23] =	dma.local [hbm:s7], s21  }
0xa0: {  	_ =	swait.ge [sflag:s23], s21  }
0xa1: {  	s6 =	ssub.s32 $0x0, s21;
	[sflag:s23] =	ssyncset.done $0x0  }
0xa2: {  	[sflag:s23] =	ssyncadd.s32 s6;
	_ =	sdelay $0x1  }
0xa3: {  	s24 =	simm.s32 $0x1B8B  }
0xa4: {  	_ =	swait.ge [sflag:s24], $0x1  }
0xa5: {  	[sflag:s24] =	ssyncset.done $0x0  }
0xa6: {  	s25 =	simm.s32 $0x1B8E;
	[sflag:s24] =	ssyncadd.s32 $0xFFFFFFFF  }
0xa7: {  	s26 =	simm.s32 $execute0_lowered;
	[smem:$0x3FD2] =	sst s25  }
0xa8: {  	s6 =	sshll.u32 s26, $0x1;
	_ =	strace $0x80000046;
	[dreg:$0x1] =	wrdreg $0xFFFFFFFF  }
0xa9: {  	s28 =	simm.s32 $_size_execute0_lowered;
	s5 =	sadd.s32 s5, s6;
	[dreg:$0x0] =	wrdreg $0x0  }
0xaa: {  	s6 =	sshll.u32 s28, $0x1;
	[dreg:$0x2] =	wrdreg s5  }
0xab: {  	[dreg:$0x3] =	wrdreg s6  }
0xac: {  	[dreg:$0x4] =	wrdreg $0xC0  }
0xad: {  	_ =	task [dreg:s9], $0x5FFFF  }
0xae: {  	[dreg:$0x1] =	wrdreg $0xFFFFFFFF  }
0xaf: {  	[dreg:$0x0] =	wrdreg $0x60  }
0xb0: {  	[dreg:$0x2] =	wrdreg s19  }
0xb1: {  	[dreg:$0x3] =	wrdreg s2  }
0xb2: {  	[dreg:$0x4] =	wrdreg s4  }
0xb3: {  	[dreg:$0x5] =	wrdreg $0x9  }
0xb4: {  	_ =	task.clear_ibuf [dreg:s9], $0x6FFFF;
	_ =	strace $0x90000046  }
0xb5: {  	s29 =	simm.s32 $0x9;
	_ =	strace $0x80000048  }
0xb6: {  	_ =	swait.ge [sflag:s29], $0x1  }
0xb7: {  	[sflag:s29] =	ssyncadd.s32 $0xFFFFFFFF  }
0xb8: {  	_ =	strace $0x90000048  }
0xb9: {  	_ =	sfence  }
0xba: {  	s30 =	sld [smem:$0x0];
	_ =	sdelay $0x2  }
0xbb: {  	s31 =	sshll.u32 s1, $0xD;
	s1 =	sshrl.u32 s1, $0x2  }
0xbc: {  	s3 =	sand.u32 $0x4000, s31;
	s1 =	sadd.s32 s1, s30  }
0xbd: {  	s0 =	sor.u32 s3, s0;
	s1 =	sshll.u32 s1, $0x11  }
0xbe: {  	s0 =	sor.u32 s1, s0  }
0xbf: {  	s0 =	sadd.s32 $0x8F2B, s0  }
0xc0: {  	[sflag:s0] =	ssyncadd.remote.s32 $0x1  }
0xc1: {  	_ =	sfence.sel $0xFFFF  }
0xc2: {  	[dreg:$0x0] =	wrdreg $0xFFFFFFFF;
	(pc) =	sbr.abs _section_cstart, $3  }
0xc3: {  	[dreg:$0x1] =	wrdreg $0xFFFFFFFF  }
0xc4: {  	_ =	task.clear_ibuf [dreg:s9], $0x2FFFF;
	_ =	strace $0x9FFFFFFF  }
0xc5: {  	(tm) =	ssettm $0x7FFFFFFF  }
tec
execute0_lowered:
.L_overlay_start_1:
0x0: {  	(tag) =	ssettag $0x1  }
0x1: {  	s8 =	rddreg [dreg:$0x0]  }
0x2: {  	s1 =	rddreg [dreg:$0x1]  }
0x3: {  	s10 =	rddreg [dreg:$0x2]  }
0x4: {  	s0 =	rddreg [dreg:$0x3];
	s3 =	simm.s32 $0x0  }
0x5: {  	s4 =	srdreg.scid;
	s2 =	stileid.u32;
	s18 =	simm.s32 $0x1  }
0x6: {  	s19 =	simm.s32 $0x2;
	s20 =	simm.s32 $0x1C700;
	s21 =	simm.s32 $0x1D700  }
0x7: {  	s22 =	simm.s32 $0x3;
	s23 =	simm.s32 $0x4;
	s24 =	simm.s32 $0x0  }
0x8: {  	[smem:$0x7FF] =	sst s3;
	s4 =	sand.u32 $0x1, s4;
	s5 =	sshll.u32 s2, $0x9  }
0x9: {  	s6 =	sshrl.u32 s2, $0x1;
	s30 =	sadd.s32 $0x1000, s10;
	s15 =	sadd.s32 $0x2000, s10  }
0xa: {  	s17 =	sadd.s32 $0x3000, s10;
	s7 =	sshll.u32 s4, $0x8;
	s5 =	sand.u32 $0x200, s5  }
0xb: {  	s9 =	smul.u32 $0xC3800, s6;
	_ =	strace $0x80000047;
	s4 =	ssub.s32 $0x2, s4  }
0xc: {  	s11 =	sshll.u32 s6, $0x11;
	s7 =	sor.u32 s7, s5;
	s12 =	sshrl.u32 s4, $0x1  }
0xd: {  	s5 =	sor.u32 s9, s7;
	s6 =	sor.u32 s11, s7;
	s14 =	ssub.s32 s4, s12  }
0xe: {  	s16 =	sor.u32 $0x80, s7;
	s5 =	sshrl.u32 s5, $0x3;
	s13 =	sshrl.u32 s6, $0x3  }
0xf: {  	s9 =	sor.u32 s9, s16;
	s11 =	sor.u32 s11, s16;
	s14 =	smax.u32 s14, $0x1  }
0x10: {  	s16 =	simm.s32 $0x400;
	s4 =	sadd.s32 s8, s5;
	s5 =	sadd.s32 s10, s13  }
0x11: {  	s6 =	sadd.s32 s13, s30;
	s7 =	sadd.s32 s13, s15;
	s9 =	sshrl.u32 s9, $0x3  }
0x12: {  	s31 =	sshrl.u32 s11, $0x3;
	s8 =	sadd.s32 s8, s9;
	s9 =	sadd.s32 s13, s17  }
0x13: {  	s10 =	sadd.s32 s10, s31;
	s11 =	sadd.s32 s31, s30;
	s12 =	sadd.s32 s31, s15  }
0x14: {  	s13 =	sadd.s32 s31, s17;
	s15 =	simm.s32 $0x80;
	s17 =	simm.s32 $0x4000  }
.LBB2_1:
0x15: {  	[tilespmem:s3], [sflag:$0x1] =	stream.linear.gather [hbm4b:s1+s3], $0x4000, $0x38;
	[tilespmem:$0x1E700] =	vst v63  }
0x16: {  	_ = 	snop  }
0x17: {  	[tilespmem:s17], [sflag:$0x2] =	stream.strided.gather [hbm4b:s4+s15], $0x18700, s16, s15, $0x38;
	[tilespmem:$0x1E700] =	vst v63  }
0x18: {  	_ =	swait.ge [sflag:s18], $0x4000  }
0x19: {  	[sflag:s18] =	ssyncset.done $0x0  }
0x1a: {  	[sflag:s18] =	ssyncadd.s32 $0xFFFFC000  }
0x1b: {  	_ =	swait.ge [sflag:s19], $0x18700  }
0x1c: {  	[sflag:s19] =	ssyncset.done $0x0  }
0x1d: {  	s25 =	simm.s32 $0x40;
	[sflag:s19] =	ssyncadd.s32 $0xFFFE7900  }
0x1e: {  	v0 =	vld [tilespmem:s25+$0x30]  }
0x1f: {  	v1 =	vld [tilespmem:s25+$0xFFFFFFD0]  }
0x20: {  	v2 =	vld [tilespmem:s25+$0xFFFFFFE0]  }
0x21: {  	v3 =	vld [tilespmem:s25+$0xFFFFFFF0]  }
0x22: {  	v4 =	vld [tilespmem:s25+$0x0]  }
0x23: {  	v6 =	vld [tilespmem:s25+$0x10]  }
0x24: {  	v7 =	vld [tilespmem:s25+$0x20]  }
0x25: {  	v8 =	vld [tilespmem:s25+$0xFFFFFFC0]  }
0x26: {  	v9 =	vld.idx.msk [tilespmem:v0+s17+$0x0], $0xffff  }
0x27: {  	v10 =	vld.idx.msk [tilespmem:v1+s17+$0x0], $0xffff  }
0x28: {  	v5 =	vld.idx.msk [tilespmem:v2+s17+$0x0], $0xffff  }
0x29: {  	v3 =	vld.idx.msk [tilespmem:v3+s17+$0x0], $0xffff  }
0x2a: {  	v0 =	vld.idx.msk [tilespmem:v4+s17+$0x0], $0xffff  }
0x2b: {  	s25 =	simm.s32 $0x1C740;
	v1 =	vld.idx.msk [tilespmem:v6+s17+$0x0], $0xffff  }
0x2c: {  	v2 =	vld.idx.msk [tilespmem:v7+s17+$0x0], $0xffff;
	[tilespmem:s25+$0x30] =	vst v9  }
0x2d: {  	s26 =	simm.s32 $0x0;
	s28 =	simm.s32 $0xC0;
	v4 =	vld.idx.msk [tilespmem:v8+s17+$0x0], $0xffff;
	[tilespmem:s25+$0xFFFFFFD0] =	vst v10  }
.LBB2_2:
0x2e: {  	v6 =	vld [tilespmem:s28+$0x30];
	s26 =	sadd.s32 $0x80, s26;
	[tilespmem:s25+$0xFFFFFFE0] =	vst v5  }
0x2f: {  	v5 =	vld [tilespmem:s28+$0xFFFFFFD0];
	p0 =	slt.u32 s26, $0xF80;
	[tilespmem:s25+$0xFFFFFFF0] =	vst v3  }
0x30: {  	v3 =	vld [tilespmem:s28+$0xFFFFFFE0];
	[tilespmem:s25+$0x0] =	vst v0  }
0x31: {  	v0 =	vld [tilespmem:s28+$0xFFFFFFF0];
	[tilespmem:s25+$0x10] =	vst v1  }
0x32: {  	v1 =	vld [tilespmem:s28+$0x0];
	[tilespmem:s25+$0x20] =	vst v2  }
0x33: {  	v2 =	vld [tilespmem:s28+$0x10];
	[tilespmem:s25+$0xFFFFFFC0] =	vst v4  }
0x34: {  	v4 =	vld [tilespmem:s28+$0x20]  }
0x35: {  	v7 =	vld [tilespmem:s28+$0xFFFFFFC0]  }
0x36: {  	v6 =	vld.idx.msk [tilespmem:v6+s17+$0x0], $0xffff  }
0x37: {  	v8 =	vld.idx.msk [tilespmem:v5+s17+$0x0], $0xffff  }
0x38: {  	v5 =	vld.idx.msk [tilespmem:v3+s17+$0x0], $0xffff  }
.Ltmp0:
0x39: {  	v3 =	vld.idx.msk [tilespmem:v0+s17+$0x0], $0xffff;
	(pc) =	sbr.rel @p0 .LBB2_2-.Ltmp0, $4  }
0x3a: {  	v0 =	vld.idx.msk [tilespmem:v1+s17+$0x0], $0xffff  }
0x3b: {  	s25 =	sadd.s32 $0x80, s25;
	v1 =	vld.idx.msk [tilespmem:v2+s17+$0x0], $0xffff  }
0x3c: {  	v2 =	vld.idx.msk [tilespmem:v4+s17+$0x0], $0xffff;
	[tilespmem:s25+$0x30] =	vst v6  }
0x3d: {  	s28 =	sadd.s32 $0x80, s28;
	v4 =	vld.idx.msk [tilespmem:v7+s17+$0x0], $0xffff;
	[tilespmem:s25+$0xFFFFFFD0] =	vst v8  }
0x3e: {  	[tilespmem:s25+$0xFFFFFFE0] =	vst v5  }
0x3f: {  	[tilespmem:s25+$0xFFFFFFF0] =	vst v3  }
0x40: {  	[tilespmem:s25+$0x0] =	vst v0  }
0x41: {  	[tilespmem:s25+$0x10] =	vst v1  }
0x42: {  	[tilespmem:s25+$0x20] =	vst v2  }
0x43: {  	s31 =	simm.s32 $0x1070;
	[tilespmem:s25+$0xFFFFFFC0] =	vst v4  }
0x44: {  	[hbm4b:s5+s15] =	stream.strided.scatter [tilespmem:s20], [sflag:$0x3], $0x1000, s16, s15, $0x38;
	[tilespmem:$0x1E700] =	vst v63  }
0x45: {  	v0 =	vld [tilespmem:s31+$0x0]  }
0x46: {  	v1 =	vld [tilespmem:s31+$0xFFFFFFA0]  }
0x47: {  	v2 =	vld [tilespmem:s31+$0xFFFFFFB0]  }
0x48: {  	v3 =	vld [tilespmem:s31+$0xFFFFFFC0]  }
0x49: {  	v4 =	vld [tilespmem:s31+$0xFFFFFFD0]  }
0x4a: {  	v6 =	vld [tilespmem:s31+$0xFFFFFFE0]  }
0x4b: {  	v7 =	vld [tilespmem:s31+$0xFFFFFFF0]  }
0x4c: {  	v8 =	vld [tilespmem:s31+$0xFFFFFF90]  }
0x4d: {  	v9 =	vld.idx.msk [tilespmem:v0+s17+$0x0], $0xffff  }
0x4e: {  	v10 =	vld.idx.msk [tilespmem:v1+s17+$0x0], $0xffff  }
0x4f: {  	v5 =	vld.idx.msk [tilespmem:v2+s17+$0x0], $0xffff  }
0x50: {  	v3 =	vld.idx.msk [tilespmem:v3+s17+$0x0], $0xffff  }
0x51: {  	v0 =	vld.idx.msk [tilespmem:v4+s17+$0x0], $0xffff  }
0x52: {  	s25 =	simm.s32 $0x1D740;
	v1 =	vld.idx.msk [tilespmem:v6+s17+$0x0], $0xffff  }
0x53: {  	v2 =	vld.idx.msk [tilespmem:v7+s17+$0x0], $0xffff;
	[tilespmem:s25+$0x30] =	vst v9  }
0x54: {  	s26 =	simm.s32 $0x0;
	s28 =	simm.s32 $0x10F0;
	v4 =	vld.idx.msk [tilespmem:v8+s17+$0x0], $0xffff;
	[tilespmem:s25+$0xFFFFFFD0] =	vst v10  }
.LBB2_4:
0x55: {  	v6 =	vld [tilespmem:s28+$0x0];
	s26 =	sadd.s32 $0x80, s26;
	[tilespmem:s25+$0xFFFFFFE0] =	vst v5  }
0x56: {  	v5 =	vld [tilespmem:s28+$0xFFFFFFA0];
	p0 =	slt.u32 s26, $0xF80;
	[tilespmem:s25+$0xFFFFFFF0] =	vst v3  }
0x57: {  	v3 =	vld [tilespmem:s28+$0xFFFFFFB0];
	[tilespmem:s25+$0x0] =	vst v0  }
0x58: {  	v0 =	vld [tilespmem:s28+$0xFFFFFFC0];
	[tilespmem:s25+$0x10] =	vst v1  }
0x59: {  	v1 =	vld [tilespmem:s28+$0xFFFFFFD0];
	[tilespmem:s25+$0x20] =	vst v2  }
0x5a: {  	v2 =	vld [tilespmem:s28+$0xFFFFFFE0];
	[tilespmem:s25+$0xFFFFFFC0] =	vst v4  }
0x5b: {  	v4 =	vld [tilespmem:s28+$0xFFFFFFF0]  }
0x5c: {  	v7 =	vld [tilespmem:s28+$0xFFFFFF90]  }
0x5d: {  	v6 =	vld.idx.msk [tilespmem:v6+s17+$0x0], $0xffff  }
0x5e: {  	v8 =	vld.idx.msk [tilespmem:v5+s17+$0x0], $0xffff  }
0x5f: {  	v5 =	vld.idx.msk [tilespmem:v3+s17+$0x0], $0xffff  }
.Ltmp1:
0x60: {  	v3 =	vld.idx.msk [tilespmem:v0+s17+$0x0], $0xffff;
	(pc) =	sbr.rel @p0 .LBB2_4-.Ltmp1, $4  }
0x61: {  	v0 =	vld.idx.msk [tilespmem:v1+s17+$0x0], $0xffff  }
0x62: {  	s25 =	sadd.s32 $0x80, s25;
	v1 =	vld.idx.msk [tilespmem:v2+s17+$0x0], $0xffff  }
0x63: {  	v2 =	vld.idx.msk [tilespmem:v4+s17+$0x0], $0xffff;
	[tilespmem:s25+$0x30] =	vst v6  }
0x64: {  	s28 =	sadd.s32 $0x80, s28;
	v4 =	vld.idx.msk [tilespmem:v7+s17+$0x0], $0xffff;
	[tilespmem:s25+$0xFFFFFFD0] =	vst v8  }
0x65: {  	[tilespmem:s25+$0xFFFFFFE0] =	vst v5  }
0x66: {  	[tilespmem:s25+$0xFFFFFFF0] =	vst v3  }
0x67: {  	[tilespmem:s25+$0x0] =	vst v0  }
0x68: {  	[tilespmem:s25+$0x10] =	vst v1  }
0x69: {  	[tilespmem:s25+$0x20] =	vst v2  }
0x6a: {  	[tilespmem:s25+$0xFFFFFFC0] =	vst v4  }
0x6b: {  	[hbm4b:s6+s15] =	stream.strided.scatter [tilespmem:s21], [sflag:$0x4], $0x1000, s16, s15, $0x38;
	[tilespmem:$0x1E700] =	vst v63  }
0x6c: {  	_ =	swait.ge [sflag:s22], $0x1000  }
0x6d: {  	[sflag:s22] =	ssyncset.done $0x0  }
0x6e: {  	s31 =	simm.s32 $0x2070;
	[sflag:s22] =	ssyncadd.s32 $0xFFFFF000  }
0x6f: {  	v0 =	vld [tilespmem:s31+$0x0]  }
0x70: {  	v1 =	vld [tilespmem:s31+$0xFFFFFFA0]  }
0x71: {  	v2 =	vld [tilespmem:s31+$0xFFFFFFB0]  }
0x72: {  	v3 =	vld [tilespmem:s31+$0xFFFFFFC0]  }
0x73: {  	v4 =	vld [tilespmem:s31+$0xFFFFFFD0]  }
0x74: {  	v6 =	vld [tilespmem:s31+$0xFFFFFFE0]  }
0x75: {  	v7 =	vld [tilespmem:s31+$0xFFFFFFF0]  }
0x76: {  	v8 =	vld [tilespmem:s31+$0xFFFFFF90]  }
0x77: {  	v9 =	vld.idx.msk [tilespmem:v0+s17+$0x0], $0xffff  }
0x78: {  	v10 =	vld.idx.msk [tilespmem:v1+s17+$0x0], $0xffff  }
0x79: {  	v5 =	vld.idx.msk [tilespmem:v2+s17+$0x0], $0xffff  }
0x7a: {  	v3 =	vld.idx.msk [tilespmem:v3+s17+$0x0], $0xffff  }
0x7b: {  	v0 =	vld.idx.msk [tilespmem:v4+s17+$0x0], $0xffff  }
0x7c: {  	s25 =	simm.s32 $0x1C740;
	v1 =	vld.idx.msk [tilespmem:v6+s17+$0x0], $0xffff  }
0x7d: {  	v2 =	vld.idx.msk [tilespmem:v7+s17+$0x0], $0xffff;
	[tilespmem:s25+$0x30] =	vst v9  }
0x7e: {  	s26 =	simm.s32 $0x0;
	s28 =	simm.s32 $0x20F0;
	v4 =	vld.idx.msk [tilespmem:v8+s17+$0x0], $0xffff;
	[tilespmem:s25+$0xFFFFFFD0] =	vst v10  }
.LBB2_6:
0x7f: {  	v6 =	vld [tilespmem:s28+$0x0];
	s26 =	sadd.s32 $0x80, s26;
	[tilespmem:s25+$0xFFFFFFE0] =	vst v5  }
0x80: {  	v5 =	vld [tilespmem:s28+$0xFFFFFFA0];
	p0 =	slt.u32 s26, $0xF80;
	[tilespmem:s25+$0xFFFFFFF0] =	vst v3  }
0x81: {  	v3 =	vld [tilespmem:s28+$0xFFFFFFB0];
	[tilespmem:s25+$0x0] =	vst v0  }
0x82: {  	v0 =	vld [tilespmem:s28+$0xFFFFFFC0];
	[tilespmem:s25+$0x10] =	vst v1  }
0x83: {  	v1 =	vld [tilespmem:s28+$0xFFFFFFD0];
	[tilespmem:s25+$0x20] =	vst v2  }
0x84: {  	v2 =	vld [tilespmem:s28+$0xFFFFFFE0];
	[tilespmem:s25+$0xFFFFFFC0] =	vst v4  }
0x85: {  	v4 =	vld [tilespmem:s28+$0xFFFFFFF0]  }
0x86: {  	v7 =	vld [tilespmem:s28+$0xFFFFFF90]  }
0x87: {  	v6 =	vld.idx.msk [tilespmem:v6+s17+$0x0], $0xffff  }
0x88: {  	v8 =	vld.idx.msk [tilespmem:v5+s17+$0x0], $0xffff  }
0x89: {  	v5 =	vld.idx.msk [tilespmem:v3+s17+$0x0], $0xffff  }
.Ltmp2:
0x8a: {  	v3 =	vld.idx.msk [tilespmem:v0+s17+$0x0], $0xffff;
	(pc) =	sbr.rel @p0 .LBB2_6-.Ltmp2, $4  }
0x8b: {  	v0 =	vld.idx.msk [tilespmem:v1+s17+$0x0], $0xffff  }
0x8c: {  	s25 =	sadd.s32 $0x80, s25;
	v1 =	vld.idx.msk [tilespmem:v2+s17+$0x0], $0xffff  }
0x8d: {  	v2 =	vld.idx.msk [tilespmem:v4+s17+$0x0], $0xffff;
	[tilespmem:s25+$0x30] =	vst v6  }
0x8e: {  	s28 =	sadd.s32 $0x80, s28;
	v4 =	vld.idx.msk [tilespmem:v7+s17+$0x0], $0xffff;
	[tilespmem:s25+$0xFFFFFFD0] =	vst v8  }
0x8f: {  	[tilespmem:s25+$0xFFFFFFE0] =	vst v5  }
0x90: {  	[tilespmem:s25+$0xFFFFFFF0] =	vst v3  }
0x91: {  	[tilespmem:s25+$0x0] =	vst v0  }
0x92: {  	[tilespmem:s25+$0x10] =	vst v1  }
0x93: {  	[tilespmem:s25+$0x20] =	vst v2  }
0x94: {  	[tilespmem:s25+$0xFFFFFFC0] =	vst v4  }
0x95: {  	[hbm4b:s7+s15] =	stream.strided.scatter [tilespmem:s20], [sflag:$0x3], $0x1000, s16, s15, $0x38;
	[tilespmem:$0x1E700] =	vst v63  }
0x96: {  	_ =	swait.ge [sflag:s23], $0x1000  }
0x97: {  	[sflag:s23] =	ssyncset.done $0x0  }
0x98: {  	s31 =	simm.s32 $0x3070;
	[sflag:s23] =	ssyncadd.s32 $0xFFFFF000  }
0x99: {  	v0 =	vld [tilespmem:s31+$0x0]  }
0x9a: {  	v1 =	vld [tilespmem:s31+$0xFFFFFFA0]  }
0x9b: {  	v2 =	vld [tilespmem:s31+$0xFFFFFFB0]  }
0x9c: {  	v3 =	vld [tilespmem:s31+$0xFFFFFFC0]  }
0x9d: {  	v4 =	vld [tilespmem:s31+$0xFFFFFFD0]  }
0x9e: {  	v6 =	vld [tilespmem:s31+$0xFFFFFFE0]  }
0x9f: {  	v7 =	vld [tilespmem:s31+$0xFFFFFFF0]  }
0xa0: {  	v8 =	vld [tilespmem:s31+$0xFFFFFF90]  }
0xa1: {  	v9 =	vld.idx.msk [tilespmem:v0+s17+$0x0], $0xffff  }
0xa2: {  	v10 =	vld.idx.msk [tilespmem:v1+s17+$0x0], $0xffff  }
0xa3: {  	v5 =	vld.idx.msk [tilespmem:v2+s17+$0x0], $0xffff  }
0xa4: {  	v3 =	vld.idx.msk [tilespmem:v3+s17+$0x0], $0xffff  }
0xa5: {  	v0 =	vld.idx.msk [tilespmem:v4+s17+$0x0], $0xffff  }
0xa6: {  	s25 =	simm.s32 $0x1D740;
	v1 =	vld.idx.msk [tilespmem:v6+s17+$0x0], $0xffff  }
0xa7: {  	v2 =	vld.idx.msk [tilespmem:v7+s17+$0x0], $0xffff;
	[tilespmem:s25+$0x30] =	vst v9  }
0xa8: {  	s26 =	simm.s32 $0x0;
	s28 =	simm.s32 $0x30F0;
	v4 =	vld.idx.msk [tilespmem:v8+s17+$0x0], $0xffff;
	[tilespmem:s25+$0xFFFFFFD0] =	vst v10  }
.LBB2_8:
0xa9: {  	v6 =	vld [tilespmem:s28+$0x0];
	s26 =	sadd.s32 $0x80, s26;
	[tilespmem:s25+$0xFFFFFFE0] =	vst v5  }
0xaa: {  	v5 =	vld [tilespmem:s28+$0xFFFFFFA0];
	p0 =	slt.u32 s26, $0xF80;
	[tilespmem:s25+$0xFFFFFFF0] =	vst v3  }
0xab: {  	v3 =	vld [tilespmem:s28+$0xFFFFFFB0];
	[tilespmem:s25+$0x0] =	vst v0  }
0xac: {  	v0 =	vld [tilespmem:s28+$0xFFFFFFC0];
	[tilespmem:s25+$0x10] =	vst v1  }
0xad: {  	v1 =	vld [tilespmem:s28+$0xFFFFFFD0];
	[tilespmem:s25+$0x20] =	vst v2  }
0xae: {  	v2 =	vld [tilespmem:s28+$0xFFFFFFE0];
	[tilespmem:s25+$0xFFFFFFC0] =	vst v4  }
0xaf: {  	v4 =	vld [tilespmem:s28+$0xFFFFFFF0]  }
0xb0: {  	v7 =	vld [tilespmem:s28+$0xFFFFFF90]  }
0xb1: {  	v6 =	vld.idx.msk [tilespmem:v6+s17+$0x0], $0xffff  }
0xb2: {  	v8 =	vld.idx.msk [tilespmem:v5+s17+$0x0], $0xffff  }
0xb3: {  	v5 =	vld.idx.msk [tilespmem:v3+s17+$0x0], $0xffff  }
.Ltmp3:
0xb4: {  	v3 =	vld.idx.msk [tilespmem:v0+s17+$0x0], $0xffff;
	(pc) =	sbr.rel @p0 .LBB2_8-.Ltmp3, $4  }
0xb5: {  	v0 =	vld.idx.msk [tilespmem:v1+s17+$0x0], $0xffff  }
0xb6: {  	s25 =	sadd.s32 $0x80, s25;
	v1 =	vld.idx.msk [tilespmem:v2+s17+$0x0], $0xffff  }
0xb7: {  	v2 =	vld.idx.msk [tilespmem:v4+s17+$0x0], $0xffff;
	[tilespmem:s25+$0x30] =	vst v6  }
0xb8: {  	s28 =	sadd.s32 $0x80, s28;
	v4 =	vld.idx.msk [tilespmem:v7+s17+$0x0], $0xffff;
	[tilespmem:s25+$0xFFFFFFD0] =	vst v8  }
0xb9: {  	[tilespmem:s25+$0xFFFFFFE0] =	vst v5  }
0xba: {  	[tilespmem:s25+$0xFFFFFFF0] =	vst v3  }
0xbb: {  	[tilespmem:s25+$0x0] =	vst v0  }
0xbc: {  	[tilespmem:s25+$0x10] =	vst v1  }
0xbd: {  	[tilespmem:s25+$0x20] =	vst v2  }
0xbe: {  	[tilespmem:s25+$0xFFFFFFC0] =	vst v4  }
0xbf: {  	[tilespmem:s17], [sflag:$0x2] =	stream.strided.gather [hbm4b:s8+s15], $0x18700, s16, s15, $0x38;
	[tilespmem:$0x1E700] =	vst v63  }
0xc0: {  	_ = 	snop  }
0xc1: {  	[hbm4b:s9+s15] =	stream.strided.scatter [tilespmem:s21], [sflag:$0x4], $0x1000, s16, s15, $0x38;
	[tilespmem:$0x1E700] =	vst v63  }
0xc2: {  	_ =	swait.ge [sflag:s19], $0x18700  }
0xc3: {  	[sflag:s19] =	ssyncset.done $0x0  }
0xc4: {  	[sflag:s19] =	ssyncadd.s32 $0xFFFE7900  }
0xc5: {  	_ =	swait.ge [sflag:s22], $0x1000  }
0xc6: {  	[sflag:s22] =	ssyncset.done $0x0  }
0xc7: {  	s31 =	simm.s32 $0x40;
	[sflag:s22] =	ssyncadd.s32 $0xFFFFF000  }
0xc8: {  	v0 =	vld [tilespmem:s31+$0x30]  }
0xc9: {  	v1 =	vld [tilespmem:s31+$0xFFFFFFD0]  }
0xca: {  	v2 =	vld [tilespmem:s31+$0xFFFFFFE0]  }
0xcb: {  	v3 =	vld [tilespmem:s31+$0xFFFFFFF0]  }
0xcc: {  	v4 =	vld [tilespmem:s31+$0x0]  }
0xcd: {  	v6 =	vld [tilespmem:s31+$0x10]  }
0xce: {  	v7 =	vld [tilespmem:s31+$0x20]  }
0xcf: {  	v8 =	vld [tilespmem:s31+$0xFFFFFFC0]  }
0xd0: {  	v9 =	vld.idx.msk [tilespmem:v0+s17+$0x0], $0xffff  }
0xd1: {  	v10 =	vld.idx.msk [tilespmem:v1+s17+$0x0], $0xffff  }
0xd2: {  	v5 =	vld.idx.msk [tilespmem:v2+s17+$0x0], $0xffff  }
0xd3: {  	v3 =	vld.idx.msk [tilespmem:v3+s17+$0x0], $0xffff  }
0xd4: {  	v0 =	vld.idx.msk [tilespmem:v4+s17+$0x0], $0xffff  }
0xd5: {  	s25 =	simm.s32 $0x1C740;
	v1 =	vld.idx.msk [tilespmem:v6+s17+$0x0], $0xffff  }
0xd6: {  	v2 =	vld.idx.msk [tilespmem:v7+s17+$0x0], $0xffff;
	[tilespmem:s25+$0x30] =	vst v9  }
0xd7: {  	s26 =	simm.s32 $0x0;
	s28 =	simm.s32 $0xC0;
	v4 =	vld.idx.msk [tilespmem:v8+s17+$0x0], $0xffff;
	[tilespmem:s25+$0xFFFFFFD0] =	vst v10  }
.LBB2_10:
0xd8: {  	v6 =	vld [tilespmem:s28+$0x30];
	s26 =	sadd.s32 $0x80, s26;
	[tilespmem:s25+$0xFFFFFFE0] =	vst v5  }
0xd9: {  	v5 =	vld [tilespmem:s28+$0xFFFFFFD0];
	p0 =	slt.u32 s26, $0xF80;
	[tilespmem:s25+$0xFFFFFFF0] =	vst v3  }
0xda: {  	v3 =	vld [tilespmem:s28+$0xFFFFFFE0];
	[tilespmem:s25+$0x0] =	vst v0  }
0xdb: {  	v0 =	vld [tilespmem:s28+$0xFFFFFFF0];
	[tilespmem:s25+$0x10] =	vst v1  }
0xdc: {  	v1 =	vld [tilespmem:s28+$0x0];
	[tilespmem:s25+$0x20] =	vst v2  }
0xdd: {  	v2 =	vld [tilespmem:s28+$0x10];
	[tilespmem:s25+$0xFFFFFFC0] =	vst v4  }
0xde: {  	v4 =	vld [tilespmem:s28+$0x20]  }
0xdf: {  	v7 =	vld [tilespmem:s28+$0xFFFFFFC0]  }
0xe0: {  	v6 =	vld.idx.msk [tilespmem:v6+s17+$0x0], $0xffff  }
0xe1: {  	v8 =	vld.idx.msk [tilespmem:v5+s17+$0x0], $0xffff  }
0xe2: {  	v5 =	vld.idx.msk [tilespmem:v3+s17+$0x0], $0xffff  }
.Ltmp4:
0xe3: {  	v3 =	vld.idx.msk [tilespmem:v0+s17+$0x0], $0xffff;
	(pc) =	sbr.rel @p0 .LBB2_10-.Ltmp4, $4  }
0xe4: {  	v0 =	vld.idx.msk [tilespmem:v1+s17+$0x0], $0xffff  }
0xe5: {  	s25 =	sadd.s32 $0x80, s25;
	v1 =	vld.idx.msk [tilespmem:v2+s17+$0x0], $0xffff  }
0xe6: {  	v2 =	vld.idx.msk [tilespmem:v4+s17+$0x0], $0xffff;
	[tilespmem:s25+$0x30] =	vst v6  }
0xe7: {  	s28 =	sadd.s32 $0x80, s28;
	v4 =	vld.idx.msk [tilespmem:v7+s17+$0x0], $0xffff;
	[tilespmem:s25+$0xFFFFFFD0] =	vst v8  }
0xe8: {  	[tilespmem:s25+$0xFFFFFFE0] =	vst v5  }
0xe9: {  	[tilespmem:s25+$0xFFFFFFF0] =	vst v3  }
0xea: {  	[tilespmem:s25+$0x0] =	vst v0  }
0xeb: {  	[tilespmem:s25+$0x10] =	vst v1  }
0xec: {  	[tilespmem:s25+$0x20] =	vst v2  }
0xed: {  	[tilespmem:s25+$0xFFFFFFC0] =	vst v4  }
0xee: {  	[hbm4b:s10+s15] =	stream.strided.scatter [tilespmem:s20], [sflag:$0x3], $0x1000, s16, s15, $0x38;
	[tilespmem:$0x1E700] =	vst v63  }
0xef: {  	_ =	swait.ge [sflag:s23], $0x1000  }
0xf0: {  	[sflag:s23] =	ssyncset.done $0x0  }
0xf1: {  	s31 =	simm.s32 $0x1070;
	[sflag:s23] =	ssyncadd.s32 $0xFFFFF000  }
0xf2: {  	v0 =	vld [tilespmem:s31+$0x0]  }
0xf3: {  	v1 =	vld [tilespmem:s31+$0xFFFFFFA0]  }
0xf4: {  	v2 =	vld [tilespmem:s31+$0xFFFFFFB0]  }
0xf5: {  	v3 =	vld [tilespmem:s31+$0xFFFFFFC0]  }
0xf6: {  	v4 =	vld [tilespmem:s31+$0xFFFFFFD0]  }
0xf7: {  	v6 =	vld [tilespmem:s31+$0xFFFFFFE0]  }
0xf8: {  	v7 =	vld [tilespmem:s31+$0xFFFFFFF0]  }
0xf9: {  	v8 =	vld [tilespmem:s31+$0xFFFFFF90]  }
0xfa: {  	v9 =	vld.idx.msk [tilespmem:v0+s17+$0x0], $0xffff  }
0xfb: {  	v10 =	vld.idx.msk [tilespmem:v1+s17+$0x0], $0xffff  }
0xfc: {  	v5 =	vld.idx.msk [tilespmem:v2+s17+$0x0], $0xffff  }
0xfd: {  	v3 =	vld.idx.msk [tilespmem:v3+s17+$0x0], $0xffff  }
0xfe: {  	v0 =	vld.idx.msk [tilespmem:v4+s17+$0x0], $0xffff  }
0xff: {  	s25 =	simm.s32 $0x1D740;
	v1 =	vld.idx.msk [tilespmem:v6+s17+$0x0], $0xffff  }
0x100: {  	v2 =	vld.idx.msk [tilespmem:v7+s17+$0x0], $0xffff;
	[tilespmem:s25+$0x30] =	vst v9  }
0x101: {  	s26 =	simm.s32 $0x0;
	s28 =	simm.s32 $0x10F0;
	v4 =	vld.idx.msk [tilespmem:v8+s17+$0x0], $0xffff;
	[tilespmem:s25+$0xFFFFFFD0] =	vst v10  }
.LBB2_12:
0x102: {  	v6 =	vld [tilespmem:s28+$0x0];
	s26 =	sadd.s32 $0x80, s26;
	[tilespmem:s25+$0xFFFFFFE0] =	vst v5  }
0x103: {  	v5 =	vld [tilespmem:s28+$0xFFFFFFA0];
	p0 =	slt.u32 s26, $0xF80;
	[tilespmem:s25+$0xFFFFFFF0] =	vst v3  }
0x104: {  	v3 =	vld [tilespmem:s28+$0xFFFFFFB0];
	[tilespmem:s25+$0x0] =	vst v0  }
0x105: {  	v0 =	vld [tilespmem:s28+$0xFFFFFFC0];
	[tilespmem:s25+$0x10] =	vst v1  }
0x106: {  	v1 =	vld [tilespmem:s28+$0xFFFFFFD0];
	[tilespmem:s25+$0x20] =	vst v2  }
0x107: {  	v2 =	vld [tilespmem:s28+$0xFFFFFFE0];
	[tilespmem:s25+$0xFFFFFFC0] =	vst v4  }
0x108: {  	v4 =	vld [tilespmem:s28+$0xFFFFFFF0]  }
0x109: {  	v7 =	vld [tilespmem:s28+$0xFFFFFF90]  }
0x10a: {  	v6 =	vld.idx.msk [tilespmem:v6+s17+$0x0], $0xffff  }
0x10b: {  	v8 =	vld.idx.msk [tilespmem:v5+s17+$0x0], $0xffff  }
0x10c: {  	v5 =	vld.idx.msk [tilespmem:v3+s17+$0x0], $0xffff  }
.Ltmp5:
0x10d: {  	v3 =	vld.idx.msk [tilespmem:v0+s17+$0x0], $0xffff;
	(pc) =	sbr.rel @p0 .LBB2_12-.Ltmp5, $4  }
0x10e: {  	v0 =	vld.idx.msk [tilespmem:v1+s17+$0x0], $0xffff  }
0x10f: {  	s25 =	sadd.s32 $0x80, s25;
	v1 =	vld.idx.msk [tilespmem:v2+s17+$0x0], $0xffff  }
0x110: {  	v2 =	vld.idx.msk [tilespmem:v4+s17+$0x0], $0xffff;
	[tilespmem:s25+$0x30] =	vst v6  }
0x111: {  	s28 =	sadd.s32 $0x80, s28;
	v4 =	vld.idx.msk [tilespmem:v7+s17+$0x0], $0xffff;
	[tilespmem:s25+$0xFFFFFFD0] =	vst v8  }
0x112: {  	[tilespmem:s25+$0xFFFFFFE0] =	vst v5  }
0x113: {  	[tilespmem:s25+$0xFFFFFFF0] =	vst v3  }
0x114: {  	[tilespmem:s25+$0x0] =	vst v0  }
0x115: {  	[tilespmem:s25+$0x10] =	vst v1  }
0x116: {  	[tilespmem:s25+$0x20] =	vst v2  }
0x117: {  	[tilespmem:s25+$0xFFFFFFC0] =	vst v4  }
0x118: {  	[hbm4b:s11+s15] =	stream.strided.scatter [tilespmem:s21], [sflag:$0x4], $0x1000, s16, s15, $0x38;
	[tilespmem:$0x1E700] =	vst v63  }
0x119: {  	_ =	swait.ge [sflag:s22], $0x1000  }
0x11a: {  	[sflag:s22] =	ssyncset.done $0x0  }
0x11b: {  	s31 =	simm.s32 $0x2070;
	[sflag:s22] =	ssyncadd.s32 $0xFFFFF000  }
0x11c: {  	v0 =	vld [tilespmem:s31+$0x0]  }
0x11d: {  	v1 =	vld [tilespmem:s31+$0xFFFFFFA0]  }
0x11e: {  	v2 =	vld [tilespmem:s31+$0xFFFFFFB0]  }
0x11f: {  	v3 =	vld [tilespmem:s31+$0xFFFFFFC0]  }
0x120: {  	v4 =	vld [tilespmem:s31+$0xFFFFFFD0]  }
0x121: {  	v6 =	vld [tilespmem:s31+$0xFFFFFFE0]  }
0x122: {  	v7 =	vld [tilespmem:s31+$0xFFFFFFF0]  }
0x123: {  	v8 =	vld [tilespmem:s31+$0xFFFFFF90]  }
0x124: {  	v9 =	vld.idx.msk [tilespmem:v0+s17+$0x0], $0xffff  }
0x125: {  	v10 =	vld.idx.msk [tilespmem:v1+s17+$0x0], $0xffff  }
0x126: {  	v5 =	vld.idx.msk [tilespmem:v2+s17+$0x0], $0xffff  }
0x127: {  	v3 =	vld.idx.msk [tilespmem:v3+s17+$0x0], $0xffff  }
0x128: {  	v0 =	vld.idx.msk [tilespmem:v4+s17+$0x0], $0xffff  }
0x129: {  	s25 =	simm.s32 $0x1C740;
	v1 =	vld.idx.msk [tilespmem:v6+s17+$0x0], $0xffff  }
0x12a: {  	v2 =	vld.idx.msk [tilespmem:v7+s17+$0x0], $0xffff;
	[tilespmem:s25+$0x30] =	vst v9  }
0x12b: {  	s26 =	simm.s32 $0x0;
	s28 =	simm.s32 $0x20F0;
	v4 =	vld.idx.msk [tilespmem:v8+s17+$0x0], $0xffff;
	[tilespmem:s25+$0xFFFFFFD0] =	vst v10  }
.LBB2_14:
0x12c: {  	v6 =	vld [tilespmem:s28+$0x0];
	s26 =	sadd.s32 $0x80, s26;
	[tilespmem:s25+$0xFFFFFFE0] =	vst v5  }
0x12d: {  	v5 =	vld [tilespmem:s28+$0xFFFFFFA0];
	p0 =	slt.u32 s26, $0xF80;
	[tilespmem:s25+$0xFFFFFFF0] =	vst v3  }
0x12e: {  	v3 =	vld [tilespmem:s28+$0xFFFFFFB0];
	[tilespmem:s25+$0x0] =	vst v0  }
0x12f: {  	v0 =	vld [tilespmem:s28+$0xFFFFFFC0];
	[tilespmem:s25+$0x10] =	vst v1  }
0x130: {  	v1 =	vld [tilespmem:s28+$0xFFFFFFD0];
	[tilespmem:s25+$0x20] =	vst v2  }
0x131: {  	v2 =	vld [tilespmem:s28+$0xFFFFFFE0];
	[tilespmem:s25+$0xFFFFFFC0] =	vst v4  }
0x132: {  	v4 =	vld [tilespmem:s28+$0xFFFFFFF0]  }
0x133: {  	v7 =	vld [tilespmem:s28+$0xFFFFFF90]  }
0x134: {  	v6 =	vld.idx.msk [tilespmem:v6+s17+$0x0], $0xffff  }
0x135: {  	v8 =	vld.idx.msk [tilespmem:v5+s17+$0x0], $0xffff  }
0x136: {  	v5 =	vld.idx.msk [tilespmem:v3+s17+$0x0], $0xffff  }
.Ltmp6:
0x137: {  	v3 =	vld.idx.msk [tilespmem:v0+s17+$0x0], $0xffff;
	(pc) =	sbr.rel @p0 .LBB2_14-.Ltmp6, $4  }
0x138: {  	v0 =	vld.idx.msk [tilespmem:v1+s17+$0x0], $0xffff  }
0x139: {  	s25 =	sadd.s32 $0x80, s25;
	v1 =	vld.idx.msk [tilespmem:v2+s17+$0x0], $0xffff  }
0x13a: {  	v2 =	vld.idx.msk [tilespmem:v4+s17+$0x0], $0xffff;
	[tilespmem:s25+$0x30] =	vst v6  }
0x13b: {  	s28 =	sadd.s32 $0x80, s28;
	v4 =	vld.idx.msk [tilespmem:v7+s17+$0x0], $0xffff;
	[tilespmem:s25+$0xFFFFFFD0] =	vst v8  }
0x13c: {  	[tilespmem:s25+$0xFFFFFFE0] =	vst v5  }
0x13d: {  	[tilespmem:s25+$0xFFFFFFF0] =	vst v3  }
0x13e: {  	[tilespmem:s25+$0x0] =	vst v0  }
0x13f: {  	[tilespmem:s25+$0x10] =	vst v1  }
0x140: {  	[tilespmem:s25+$0x20] =	vst v2  }
0x141: {  	[tilespmem:s25+$0xFFFFFFC0] =	vst v4  }
0x142: {  	[hbm4b:s12+s15] =	stream.strided.scatter [tilespmem:s20], [sflag:$0x3], $0x1000, s16, s15, $0x38;
	[tilespmem:$0x1E700] =	vst v63  }
0x143: {  	_ =	swait.ge [sflag:s23], $0x1000  }
0x144: {  	[sflag:s23] =	ssyncset.done $0x0  }
0x145: {  	s31 =	simm.s32 $0x3070;
	[sflag:s23] =	ssyncadd.s32 $0xFFFFF000  }
0x146: {  	v0 =	vld [tilespmem:s31+$0x0]  }
0x147: {  	v1 =	vld [tilespmem:s31+$0xFFFFFFA0]  }
0x148: {  	v2 =	vld [tilespmem:s31+$0xFFFFFFB0]  }
0x149: {  	v3 =	vld [tilespmem:s31+$0xFFFFFFC0]  }
0x14a: {  	v4 =	vld [tilespmem:s31+$0xFFFFFFD0]  }
0x14b: {  	v6 =	vld [tilespmem:s31+$0xFFFFFFE0]  }
0x14c: {  	v7 =	vld [tilespmem:s31+$0xFFFFFFF0]  }
0x14d: {  	v8 =	vld [tilespmem:s31+$0xFFFFFF90]  }
0x14e: {  	v9 =	vld.idx.msk [tilespmem:v0+s17+$0x0], $0xffff  }
0x14f: {  	v10 =	vld.idx.msk [tilespmem:v1+s17+$0x0], $0xffff  }
0x150: {  	v5 =	vld.idx.msk [tilespmem:v2+s17+$0x0], $0xffff  }
0x151: {  	v3 =	vld.idx.msk [tilespmem:v3+s17+$0x0], $0xffff  }
0x152: {  	v0 =	vld.idx.msk [tilespmem:v4+s17+$0x0], $0xffff  }
0x153: {  	s25 =	simm.s32 $0x1D740;
	v1 =	vld.idx.msk [tilespmem:v6+s17+$0x0], $0xffff  }
0x154: {  	v2 =	vld.idx.msk [tilespmem:v7+s17+$0x0], $0xffff;
	[tilespmem:s25+$0x30] =	vst v9  }
0x155: {  	s26 =	simm.s32 $0x0;
	s28 =	simm.s32 $0x30F0;
	v4 =	vld.idx.msk [tilespmem:v8+s17+$0x0], $0xffff;
	[tilespmem:s25+$0xFFFFFFD0] =	vst v10  }
.LBB2_16:
0x156: {  	v6 =	vld [tilespmem:s28+$0x0];
	s26 =	sadd.s32 $0x80, s26;
	[tilespmem:s25+$0xFFFFFFE0] =	vst v5  }
0x157: {  	v5 =	vld [tilespmem:s28+$0xFFFFFFA0];
	p0 =	slt.u32 s26, $0xF80;
	[tilespmem:s25+$0xFFFFFFF0] =	vst v3  }
0x158: {  	v3 =	vld [tilespmem:s28+$0xFFFFFFB0];
	[tilespmem:s25+$0x0] =	vst v0  }
0x159: {  	v0 =	vld [tilespmem:s28+$0xFFFFFFC0];
	[tilespmem:s25+$0x10] =	vst v1  }
0x15a: {  	v1 =	vld [tilespmem:s28+$0xFFFFFFD0];
	[tilespmem:s25+$0x20] =	vst v2  }
0x15b: {  	v2 =	vld [tilespmem:s28+$0xFFFFFFE0];
	[tilespmem:s25+$0xFFFFFFC0] =	vst v4  }
0x15c: {  	v4 =	vld [tilespmem:s28+$0xFFFFFFF0]  }
0x15d: {  	v7 =	vld [tilespmem:s28+$0xFFFFFF90]  }
0x15e: {  	v6 =	vld.idx.msk [tilespmem:v6+s17+$0x0], $0xffff  }
0x15f: {  	v8 =	vld.idx.msk [tilespmem:v5+s17+$0x0], $0xffff  }
0x160: {  	v5 =	vld.idx.msk [tilespmem:v3+s17+$0x0], $0xffff  }
.Ltmp7:
0x161: {  	v3 =	vld.idx.msk [tilespmem:v0+s17+$0x0], $0xffff;
	(pc) =	sbr.rel @p0 .LBB2_16-.Ltmp7, $4  }
0x162: {  	v0 =	vld.idx.msk [tilespmem:v1+s17+$0x0], $0xffff  }
0x163: {  	s25 =	sadd.s32 $0x80, s25;
	v1 =	vld.idx.msk [tilespmem:v2+s17+$0x0], $0xffff  }
0x164: {  	v2 =	vld.idx.msk [tilespmem:v4+s17+$0x0], $0xffff;
	[tilespmem:s25+$0x30] =	vst v6  }
0x165: {  	s28 =	sadd.s32 $0x80, s28;
	v4 =	vld.idx.msk [tilespmem:v7+s17+$0x0], $0xffff;
	[tilespmem:s25+$0xFFFFFFD0] =	vst v8  }
0x166: {  	[tilespmem:s25+$0xFFFFFFE0] =	vst v5  }
0x167: {  	[tilespmem:s25+$0xFFFFFFF0] =	vst v3  }
0x168: {  	[tilespmem:s25+$0x0] =	vst v0  }
0x169: {  	[tilespmem:s25+$0x10] =	vst v1  }
0x16a: {  	[tilespmem:s25+$0x20] =	vst v2  }
0x16b: {  	s24 =	sadd.s32 $0x1, s24;
	[tilespmem:s25+$0xFFFFFFC0] =	vst v4  }
0x16c: {  	[hbm4b:s13+s15] =	stream.strided.scatter [tilespmem:s21], [sflag:$0x4], $0x1000, s16, s15, $0x38;
	[tilespmem:$0x1E700] =	vst v63  }
0x16d: {  	p0 =	sne.s32 s24, s14;
	_ =	swait.ge [sflag:s22], $0x1000  }
.Ltmp8:
0x16e: {  	[sflag:s22] =	ssyncset.done $0x0;
	(pc) =	sbr.rel @p0 .LBB2_1-.Ltmp8, $4  }
0x16f: {  	[sflag:s22] =	ssyncadd.s32 $0xFFFFF000  }
0x170: {  	_ =	swait.ge [sflag:s23], $0x1000  }
0x171: {  	[sflag:s23] =	ssyncset.done $0x0  }
0x172: {  	[sflag:s23] =	ssyncadd.s32 $0xFFFFF000  }
0x173: {  	_ =	sfence.sel $0x180000  }
0x174: {  	[bflag:$0x0] =	sbarrier.arrive $0xFFFF  }
0x175: {  	p0 =	sne.s32 s2, $0x0;
	_ =	strace $0x90000047  }
0x176: {  	s0 =	sadd.s32 @!p0 $0x100000, s0;
	[bflag:$0x2] =	sbarrier.arrive $0xFFFF  }
0x177: {  	[sflag:s0] =	ssyncadd.tile.s32 @!p0 $0x1;
	_ =	shalt  }
.Lfunc_end2:
_tile_overlayer_lowered:
.L_overlay_start_2:
0x178: {  	(tag) =	ssettag $0x2  }
0x179: {  	s0 =	rddreg [dreg:$0x0];
	s2 =	stileid.u32  }
0x17a: {  	s1 =	rddreg [dreg:$0x1];
	p0 =	sne.s32 s2, $0x0  }
0x17b: {  	s3 =	rddreg [dreg:$0x2];
	[bflag:$0x3] =	sbarrier.arrive $0xFFFF;
	s2 =	simm.s32 @!p0 $0x1C05  }
0x17c: {  	[timem:s3], [sflag:s2] =	dma.local @!p0 [hbm:s0], s1  }
0x17d: {  	s0 =	simm.s32 @!p0 $0x5  }
0x17e: {  	_ =	swait.ge @!p0 [sflag:s0], s1  }
0x17f: {  	s1 =	ssub.s32 @!p0 $0x0, s1;
	[sflag:s0] =	ssyncset.done @!p0 $0x0  }
0x180: {  	[sflag:s0] =	ssyncadd.s32 @!p0 s1  }
0x181: {  	[bflag:$0x3] =	sbarrier.arrive $0xFFFF  }
0x182: {  	_ =	shalt  }

</sc_bundles>
